<compile_context>
chip_gen: v7x
topology: tpu7x:2x2x1
jax: 0.10.2.dev20260603
libtpu: 0.0.44.dev20260713+nightly
codegen_flags: <defaults>
</compile_context>

<pallas_src>
import functools

import jax
import jax.numpy as jnp
from jax import lax
from jax.experimental import pallas as pl
from jax.experimental.pallas import tpu as pltpu
from jax.experimental.pallas import tpu_sc as plsc

N_NODES = 10000
D = 128

NC = 2
NS = 16
NW = NC * NS
K = 128

AGG_ROWS = 10112
DEG_LEN = 10240


def _sc_segment_sum(feat, src_lin, dst_chk, zeros2d, zeros1d, ones_row,
                    n_chunks, with_deg):
  mesh = plsc.VectorSubcoreMesh(core_axis_name="c", subcore_axis_name="s")

  out_type = [jax.ShapeDtypeStruct((NC, AGG_ROWS, D), jnp.float32)]
  if with_deg:
    out_type.append(jax.ShapeDtypeStruct((NC, DEG_LEN), jnp.float32))

  scratch = dict(
      src_v=pltpu.VMEM((n_chunks * K,), jnp.int32),
      dst_v=pltpu.VMEM((n_chunks, K), jnp.int32),
      rows_v=pltpu.VMEM((K, D), jnp.float32),
      ones_v=pltpu.VMEM((K,), jnp.float32),
      agg_sh=pltpu.VMEM_SHARED((AGG_ROWS, D), jnp.float32),
      deg_sh=pltpu.VMEM_SHARED((DEG_LEN,), jnp.float32),
      gsem=pltpu.SemaphoreType.DMA,
  )

  def body(feat_hbm, src_hbm, dst_hbm, z2_hbm, z1_hbm, ones_hbm,
           *outs, src_v, dst_v, rows_v, ones_v, agg_sh, deg_sh, gsem):
    if with_deg:
      agg_out, deg_out = outs
    else:
      (agg_out,) = outs
    c = lax.axis_index("c")
    s = lax.axis_index("s")
    wid = c * NS + s

    pltpu.sync_copy(src_hbm.at[wid], src_v)
    pltpu.sync_copy(dst_hbm.at[wid], dst_v)
    if with_deg:
      pltpu.sync_copy(ones_hbm, ones_v)

    pltpu.sync_copy(z2_hbm, agg_sh.at[pl.ds(s * (AGG_ROWS // NS), AGG_ROWS // NS)])
    if with_deg:
      pltpu.sync_copy(z1_hbm, deg_sh.at[pl.ds(s * (DEG_LEN // NS), DEG_LEN // NS)])
    plsc.subcore_barrier()

    def chunk(j, carry):
      idx = src_v.at[pl.ds(j * K, K)]
      pltpu.async_copy(feat_hbm.at[idx], rows_v, gsem).wait()
      pltpu.sync_copy(rows_v, agg_sh.at[dst_v.at[j]], add=True)
      if with_deg:
        pltpu.sync_copy(ones_v, deg_sh.at[dst_v.at[j]], add=True)
      return carry

    lax.fori_loop(0, n_chunks, chunk, 0)
    plsc.subcore_barrier()

    ar = AGG_ROWS // NS
    pltpu.sync_copy(agg_sh.at[pl.ds(s * ar, ar)],
                    agg_out.at[c, pl.ds(s * ar, ar)])
    if with_deg:
      dr = DEG_LEN // NS
      pltpu.sync_copy(deg_sh.at[pl.ds(s * dr, dr)],
                      deg_out.at[c, pl.ds(s * dr, dr)])

  run = pl.kernel(body, out_type=tuple(out_type), mesh=mesh,
                  scratch_types=scratch)
  return run(feat, src_lin, dst_chk, zeros2d, zeros1d, ones_row)


def _tc_layer(x, a0, a1, degT, w_self, w_neigh, b2d, apply_relu):
  n = x.shape[0]
  br = 2000

  def body(x_r, a0_r, a1_r, dg_r, ws_r, wn_r, b_r, o_r):
    agg = a0_r[...] + a1_r[...]
    deg = dg_r[..., 0] + dg_r[..., 1]
    invd = 1.0 / jnp.maximum(deg, 1.0)
    mean = agg * invd[:, None]
    h = (jnp.dot(x_r[...], ws_r[...], preferred_element_type=jnp.float32)
         + jnp.dot(mean, wn_r[...], preferred_element_type=jnp.float32)
         + b_r[...])
    o_r[...] = jnp.maximum(h, 0.0) if apply_relu else h

  grid = (n // br,)
  row_spec = pl.BlockSpec((br, D), lambda i: (i, 0))
  full = lambda shape: pl.BlockSpec(shape, lambda i: (0,) * len(shape))
  return pl.pallas_call(
      body,
      grid=grid,
      in_specs=[row_spec, row_spec, row_spec,
                pl.BlockSpec((br, 2), lambda i: (i, 0)),
                full((D, D)), full((D, D)), full((1, D))],
      out_specs=row_spec,
      out_shape=jax.ShapeDtypeStruct((n, D), jnp.float32),
  )(x, a0, a1, degT, w_self, w_neigh, b2d)


def kernel(x, edge_index, W_self1, W_neigh1, b1, W_self2, W_neigh2, b2):
  n, d = x.shape
  e = edge_index.shape[1]
  src = edge_index[0].astype(jnp.int32)
  dst = edge_index[1].astype(jnp.int32)

  n_chunks = -(-e // (NW * K))
  e_pad = NW * n_chunks * K
  src = jnp.pad(src, (0, e_pad - e))
  dst = jnp.pad(dst, (0, e_pad - e), constant_values=n)
  src_lin = src.reshape(NW, n_chunks * K)
  dst_chk = dst.reshape(NW, n_chunks, K)

  zeros2d = jnp.zeros((AGG_ROWS // NS, D), jnp.float32)
  zeros1d = jnp.zeros((DEG_LEN // NS,), jnp.float32)
  ones_row = jnp.ones((K,), jnp.float32)

  agg1, deg = _sc_segment_sum(x, src_lin, dst_chk, zeros2d, zeros1d,
                              ones_row, n_chunks, with_deg=True)
  degT = jnp.stack([deg[0, :n], deg[1, :n]], axis=1)
  b1_2d = b1.reshape(1, d)
  h = _tc_layer(x, agg1[0, :n], agg1[1, :n], degT, W_self1, W_neigh1,
                b1_2d, apply_relu=True)

  (agg2,) = _sc_segment_sum(h, src_lin, dst_chk, zeros2d, zeros1d,
                            ones_row, n_chunks, with_deg=False)
  out = _tc_layer(h, agg2[0, :n], agg2[1, :n], degT, W_self2, W_neigh2,
                  b2.reshape(1, d), apply_relu=False)
  return out

# --- scband reference (transcript-rebuilt; emitter-appended) ---
"""Pipeline reference for scband-graph-sage-80573586473556 (READ-ONLY COPY).

The authoritative reference and input builder live on the scoring server;
editing this copy changes nothing except your own understanding.
"""

import jax, jax.numpy as jnp
import numpy as np

N_NODES = 10000
N_EDGES = 320000
D_IN = 128
D_HID = 128
D_OUT = 128


def setup_inputs(seed: int = 0) -> dict:
    key = jax.random.key(seed)
    ks = jax.random.split(key, 9)
    x = jax.random.normal(ks[0], (N_NODES, D_IN), dtype=jnp.float32)
    edge_index = jax.random.randint(ks[1], (2, N_EDGES), 0, N_NODES, dtype=jnp.int64)
    s1 = 1.0 / np.sqrt(D_IN)
    s2 = 1.0 / np.sqrt(D_HID)
    W_self1 = jax.random.normal(ks[2], (D_IN, D_HID), dtype=jnp.float32) * s1
    W_neigh1 = jax.random.normal(ks[3], (D_IN, D_HID), dtype=jnp.float32) * s1
    b1 = jnp.zeros((D_HID,), dtype=jnp.float32)
    W_self2 = jax.random.normal(ks[4], (D_HID, D_OUT), dtype=jnp.float32) * s2
    W_neigh2 = jax.random.normal(ks[5], (D_HID, D_OUT), dtype=jnp.float32) * s2
    b2 = jnp.zeros((D_OUT,), dtype=jnp.float32)
    return {"x": x, "edge_index": edge_index, "W_self1": W_self1, "W_neigh1": W_neigh1, "b1": b1, "W_self2": W_self2, "W_neigh2": W_neigh2, "b2": b2}


def _sage_layer(x, src, dst, W_self, W_neigh, b):
    # DGL SAGEConv with 'mean' aggregator: h = fc_self(x) + fc_neigh(mean_{u in N(v)} x_u) + b
    msgs = jnp.take(x, src, axis=0)
    agg = jax.ops.segment_sum(msgs, dst, num_segments=N_NODES)
    deg = jax.ops.segment_sum(jnp.ones((src.shape[0],), dtype=x.dtype), dst, num_segments=N_NODES)
    mean_neigh = agg / jnp.clip(deg, 1.0, None)[:, None]
    return x @ W_self + mean_neigh @ W_neigh + b


def reference(x, edge_index, W_self1, W_neigh1, b1, W_self2, W_neigh2, b2):
    src = edge_index[0]
    dst = edge_index[1]
    h = _sage_layer(x, src, dst, W_self1, W_neigh1, b1)
    h = jax.nn.relu(h)
    out = _sage_layer(h, src, dst, W_self2, W_neigh2, b2)
    return out

if __name__ == "__main__":
    import jax
    _d = setup_inputs()
    print(jax.jit(kernel)(*tuple(_d.values())))

</pallas_src>

<mosaic_0001>
#map = affine_map<(d0, d1) -> (0, 0)>
#map1 = affine_map<(d0, d1) -> (0, 0, 0)>
#map2 = affine_map<(d0, d1) -> (0)>
module attributes {stable_mosaic.version = 14 : i64} {
  func.func @body(%arg0: i32, %arg1: i32, %arg2: memref<10000x128xf32, #tpu.memory_space<hbm>>, %arg3: memref<32x10112xi32, #tpu.memory_space<hbm>>, %arg4: memref<32x79x128xi32, #tpu.memory_space<hbm>>, %arg5: memref<632x128xf32, #tpu.memory_space<hbm>>, %arg6: memref<640xf32, #tpu.memory_space<hbm>>, %arg7: memref<128xf32, #tpu.memory_space<hbm>>, %arg8: memref<2x10112x128xf32, #tpu.memory_space<hbm>>, %arg9: memref<2x10240xf32, #tpu.memory_space<hbm>>, %arg10: memref<10112x128xf32, #tpu.memory_space<vmem_shared>>, %arg11: memref<10240xf32, #tpu.memory_space<vmem_shared>>, %arg12: memref<79x128xi32, #tpu.memory_space<vmem>>, %arg13: memref<!tpu.dma_semaphore, #tpu.memory_space<semaphore_mem>>, %arg14: memref<128xf32, #tpu.memory_space<vmem>>, %arg15: memref<128x128xf32, #tpu.memory_space<vmem>>, %arg16: memref<10112xi32, #tpu.memory_space<vmem>>) attributes {dimension_semantics = [#tpu.dimension_semantics<core_parallel>, #tpu.dimension_semantics<subcore_parallel>], iteration_bounds = array<i64: 2, 16>, scalar_prefetch = 0 : i64, scratch_operands = 7 : i64, tpu.core_type = #tpu.core_type<sc_vector_subcore>, window_params = [{transform_indices = #map}, {transform_indices = #map}, {transform_indices = #map1}, {transform_indices = #map}, {transform_indices = #map2}, {transform_indices = #map2}, {transform_indices = #map1}, {transform_indices = #map}]} {
    %mul3A = arith.constant 16 : i32
    %mul3A_0 = arith.muli %arg0, %mul3A : i32
    %add3A = arith.addi %mul3A_0, %arg1 : i32
    "tpu.region"() ({
      %run_scoped3A = tpu.sem_alloc : memref<!tpu.dma_semaphore, #tpu.memory_space<semaphore_mem>>
      %dma_start3A = arith.constant 0 : i32
      %dma_start3A_19 = tpu.memref_slice %arg3[%add3A, %dma_start3A] : memref<32x10112xi32, #tpu.memory_space<hbm>> -> memref<1x10112xi32, #tpu.memory_space<hbm>>
      %dma_start3A_20 = tpu.memref_squeeze %dma_start3A_19 : memref<1x10112xi32, #tpu.memory_space<hbm>> -> memref<10112xi32, #tpu.memory_space<hbm>>
      %dma_start3A_21 = arith.constant 0 : i32
      %dma_start3A_22 = tpu.memref_slice %arg3[%add3A, %dma_start3A_21] : memref<32x10112xi32, #tpu.memory_space<hbm>> -> memref<1x10112xi32, #tpu.memory_space<hbm>>
      %dma_start3A_23 = tpu.memref_squeeze %dma_start3A_22 : memref<1x10112xi32, #tpu.memory_space<hbm>> -> memref<10112xi32, #tpu.memory_space<hbm>>
      tpu.enqueue_dma source(%dma_start3A_23 : memref<10112xi32, #tpu.memory_space<hbm>>) target(%arg16 : memref<10112xi32, #tpu.memory_space<vmem>>) target_semaphore(%run_scoped3A : memref<!tpu.dma_semaphore, #tpu.memory_space<semaphore_mem>>)
      %dma_wait3A = arith.constant 0 : i32
      %dma_wait3A_24 = tpu.memref_slice %arg3[%add3A, %dma_wait3A] : memref<32x10112xi32, #tpu.memory_space<hbm>> -> memref<1x10112xi32, #tpu.memory_space<hbm>>
      %dma_wait3A_25 = tpu.memref_squeeze %dma_wait3A_24 : memref<1x10112xi32, #tpu.memory_space<hbm>> -> memref<10112xi32, #tpu.memory_space<hbm>>
      %dma_wait3A_26 = arith.constant 0 : i32
      %dma_wait3A_27 = tpu.memref_slice %arg3[%add3A, %dma_wait3A_26] : memref<32x10112xi32, #tpu.memory_space<hbm>> -> memref<1x10112xi32, #tpu.memory_space<hbm>>
      %dma_wait3A_28 = tpu.memref_squeeze %dma_wait3A_27 : memref<1x10112xi32, #tpu.memory_space<hbm>> -> memref<10112xi32, #tpu.memory_space<hbm>>
      tpu.wait_dma2 semaphore(%run_scoped3A : memref<!tpu.dma_semaphore, #tpu.memory_space<semaphore_mem>>) src(%dma_wait3A_28 : memref<10112xi32, #tpu.memory_space<hbm>>) dst(%arg16 : memref<10112xi32, #tpu.memory_space<vmem>>)
      tpu.yield
    }) : () -> ()
    "tpu.region"() ({
      %run_scoped3A = tpu.sem_alloc : memref<!tpu.dma_semaphore, #tpu.memory_space<semaphore_mem>>
      %dma_start3A = arith.constant 0 : i32
      %dma_start3A_19 = arith.constant 0 : i32
      %dma_start3A_20 = tpu.memref_slice %arg4[%add3A, %dma_start3A, %dma_start3A_19] : memref<32x79x128xi32, #tpu.memory_space<hbm>> -> memref<1x79x128xi32, #tpu.memory_space<hbm>>
      %dma_start3A_21 = tpu.memref_squeeze %dma_start3A_20 : memref<1x79x128xi32, #tpu.memory_space<hbm>> -> memref<79x128xi32, #tpu.memory_space<hbm>>
      %dma_start3A_22 = arith.constant 0 : i32
      %dma_start3A_23 = arith.constant 0 : i32
      %dma_start3A_24 = tpu.memref_slice %arg4[%add3A, %dma_start3A_22, %dma_start3A_23] : memref<32x79x128xi32, #tpu.memory_space<hbm>> -> memref<1x79x128xi32, #tpu.memory_space<hbm>>
      %dma_start3A_25 = tpu.memref_squeeze %dma_start3A_24 : memref<1x79x128xi32, #tpu.memory_space<hbm>> -> memref<79x128xi32, #tpu.memory_space<hbm>>
      tpu.enqueue_dma source(%dma_start3A_25 : memref<79x128xi32, #tpu.memory_space<hbm>>) target(%arg12 : memref<79x128xi32, #tpu.memory_space<vmem>>) target_semaphore(%run_scoped3A : memref<!tpu.dma_semaphore, #tpu.memory_space<semaphore_mem>>)
      %dma_wait3A = arith.constant 0 : i32
      %dma_wait3A_26 = arith.constant 0 : i32
      %dma_wait3A_27 = tpu.memref_slice %arg4[%add3A, %dma_wait3A, %dma_wait3A_26] : memref<32x79x128xi32, #tpu.memory_space<hbm>> -> memref<1x79x128xi32, #tpu.memory_space<hbm>>
      %dma_wait3A_28 = tpu.memref_squeeze %dma_wait3A_27 : memref<1x79x128xi32, #tpu.memory_space<hbm>> -> memref<79x128xi32, #tpu.memory_space<hbm>>
      %dma_wait3A_29 = arith.constant 0 : i32
      %dma_wait3A_30 = arith.constant 0 : i32
      %dma_wait3A_31 = tpu.memref_slice %arg4[%add3A, %dma_wait3A_29, %dma_wait3A_30] : memref<32x79x128xi32, #tpu.memory_space<hbm>> -> memref<1x79x128xi32, #tpu.memory_space<hbm>>
      %dma_wait3A_32 = tpu.memref_squeeze %dma_wait3A_31 : memref<1x79x128xi32, #tpu.memory_space<hbm>> -> memref<79x128xi32, #tpu.memory_space<hbm>>
      tpu.wait_dma2 semaphore(%run_scoped3A : memref<!tpu.dma_semaphore, #tpu.memory_space<semaphore_mem>>) src(%dma_wait3A_32 : memref<79x128xi32, #tpu.memory_space<hbm>>) dst(%arg12 : memref<79x128xi32, #tpu.memory_space<vmem>>)
      tpu.yield
    }) : () -> ()
    "tpu.region"() ({
      %run_scoped3A = tpu.sem_alloc : memref<!tpu.dma_semaphore, #tpu.memory_space<semaphore_mem>>
      tpu.enqueue_dma source(%arg7 : memref<128xf32, #tpu.memory_space<hbm>>) target(%arg14 : memref<128xf32, #tpu.memory_space<vmem>>) target_semaphore(%run_scoped3A : memref<!tpu.dma_semaphore, #tpu.memory_space<semaphore_mem>>)
      tpu.wait_dma2 semaphore(%run_scoped3A : memref<!tpu.dma_semaphore, #tpu.memory_space<semaphore_mem>>) src(%arg7 : memref<128xf32, #tpu.memory_space<hbm>>) dst(%arg14 : memref<128xf32, #tpu.memory_space<vmem>>)
      tpu.yield
    }) : () -> ()
    %mul3A_1 = arith.constant 632 : i32
    %mul3A_2 = arith.muli %arg1, %mul3A_1 : i32
    "tpu.region"() ({
      %run_scoped3A = tpu.sem_alloc : memref<!tpu.dma_semaphore, #tpu.memory_space<semaphore_mem>>
      %dma_start3A = arith.constant 0 : i32
      %dma_start3A_19 = tpu.memref_slice %arg10[%mul3A_2, %dma_start3A] : memref<10112x128xf32, #tpu.memory_space<vmem_shared>> -> memref<632x128xf32, #tpu.memory_space<vmem_shared>>
      tpu.enqueue_dma source(%arg5 : memref<632x128xf32, #tpu.memory_space<hbm>>) target(%dma_start3A_19 : memref<632x128xf32, #tpu.memory_space<vmem_shared>>) target_semaphore(%run_scoped3A : memref<!tpu.dma_semaphore, #tpu.memory_space<semaphore_mem>>)
      %dma_wait3A = arith.constant 0 : i32
      %dma_wait3A_20 = tpu.memref_slice %arg10[%mul3A_2, %dma_wait3A] : memref<10112x128xf32, #tpu.memory_space<vmem_shared>> -> memref<632x128xf32, #tpu.memory_space<vmem_shared>>
      tpu.wait_dma2 semaphore(%run_scoped3A : memref<!tpu.dma_semaphore, #tpu.memory_space<semaphore_mem>>) src(%arg5 : memref<632x128xf32, #tpu.memory_space<hbm>>) dst(%dma_wait3A_20 : memref<632x128xf32, #tpu.memory_space<vmem_shared>>)
      tpu.yield
    }) : () -> ()
    %mul3A_3 = arith.constant 640 : i32
    %mul3A_4 = arith.muli %arg1, %mul3A_3 : i32
    "tpu.region"() ({
      %run_scoped3A = tpu.sem_alloc : memref<!tpu.dma_semaphore, #tpu.memory_space<semaphore_mem>>
      %dma_start3A = tpu.memref_slice %arg11[%mul3A_4] : memref<10240xf32, #tpu.memory_space<vmem_shared>> -> memref<640xf32, #tpu.memory_space<vmem_shared>>
      tpu.enqueue_dma source(%arg6 : memref<640xf32, #tpu.memory_space<hbm>>) target(%dma_start3A : memref<640xf32, #tpu.memory_space<vmem_shared>>) target_semaphore(%run_scoped3A : memref<!tpu.dma_semaphore, #tpu.memory_space<semaphore_mem>>)
      %dma_wait3A = tpu.memref_slice %arg11[%mul3A_4] : memref<10240xf32, #tpu.memory_space<vmem_shared>> -> memref<640xf32, #tpu.memory_space<vmem_shared>>
      tpu.wait_dma2 semaphore(%run_scoped3A : memref<!tpu.dma_semaphore, #tpu.memory_space<semaphore_mem>>) src(%arg6 : memref<640xf32, #tpu.memory_space<hbm>>) dst(%dma_wait3A : memref<640xf32, #tpu.memory_space<vmem_shared>>)
      tpu.yield
    }) : () -> ()
    %barrier3A = arith.constant 0 : index
    tpu.barrier barrier_id(%barrier3A)
    %scan3A = arith.constant 0 : i32
    %scan3A_5 = arith.constant 0 : i32
    %scan3A_6 = arith.constant 79 : i32
    %scan3A_7 = arith.addi %scan3A_5, %scan3A_6 : i32
    %scan3A_8 = arith.constant 1 : i32
    scf.for %scan3A_19 = %scan3A_5 to %scan3A_7 step %scan3A_8  : i32 {
      %mul3A_20 = arith.constant 128 : i32
      %mul3A_21 = arith.muli %scan3A_19, %mul3A_20 : i32
      %dma_start3A = tpu.memref_slice %arg16[%mul3A_21] : memref<10112xi32, #tpu.memory_space<vmem>> -> memref<128xi32, #tpu.memory_space<vmem>>
      %dma_start3A_22 = arith.constant 0 : i32
      %dma_start3A_23 = arith.constant 0 : i32
      %dma_start3A_24 = tpu.memref_slice %arg2[%dma_start3A_22, %dma_start3A_23] : memref<10000x128xf32, #tpu.memory_space<hbm>> -> memref<10000x128xf32, #tpu.memory_space<hbm>>
      tpu.enqueue_indirect_dma source(%dma_start3A_24 : memref<10000x128xf32, #tpu.memory_space<hbm>>) target(%arg15 : memref<128x128xf32, #tpu.memory_space<vmem>>) offsets(%dma_start3A : memref<128xi32, #tpu.memory_space<vmem>>) semaphore(%arg13 : memref<!tpu.dma_semaphore, #tpu.memory_space<semaphore_mem>>)
      %dma_wait3A = tpu.memref_slice %arg16[%mul3A_21] : memref<10112xi32, #tpu.memory_space<vmem>> -> memref<128xi32, #tpu.memory_space<vmem>>
      %dma_wait3A_25 = arith.constant 0 : i32
      %dma_wait3A_26 = arith.constant 0 : i32
      %dma_wait3A_27 = tpu.memref_slice %arg2[%dma_wait3A_25, %dma_wait3A_26] : memref<10000x128xf32, #tpu.memory_space<hbm>> -> memref<10000x128xf32, #tpu.memory_space<hbm>>
      tpu.wait_indirect_dma semaphore(%arg13 : memref<!tpu.dma_semaphore, #tpu.memory_space<semaphore_mem>>) src(%dma_wait3A_27 : memref<10000x128xf32, #tpu.memory_space<hbm>>) dst(%arg15 : memref<128x128xf32, #tpu.memory_space<vmem>>)
      "tpu.region"() ({
        %run_scoped3A = tpu.sem_alloc : memref<!tpu.dma_semaphore, #tpu.memory_space<semaphore_mem>>
        %dma_start3A_28 = arith.constant 0 : i32
        %dma_start3A_29 = tpu.memref_slice %arg12[%scan3A_19, %dma_start3A_28] : memref<79x128xi32, #tpu.memory_space<vmem>> -> memref<1x128xi32, #tpu.memory_space<vmem>>
        %dma_start3A_30 = tpu.memref_squeeze %dma_start3A_29 : memref<1x128xi32, #tpu.memory_space<vmem>> -> memref<128xi32, #tpu.memory_space<vmem>>
        %dma_start3A_31 = arith.constant 0 : i32
        %dma_start3A_32 = arith.constant 0 : i32
        %dma_start3A_33 = tpu.memref_slice %arg10[%dma_start3A_31, %dma_start3A_32] : memref<10112x128xf32, #tpu.memory_space<vmem_shared>> -> memref<10112x128xf32, #tpu.memory_space<vmem_shared>>
        tpu.enqueue_indirect_dma source(%arg15 : memref<128x128xf32, #tpu.memory_space<vmem>>) target(%dma_start3A_33 : memref<10112x128xf32, #tpu.memory_space<vmem_shared>>) offsets(%dma_start3A_30 : memref<128xi32, #tpu.memory_space<vmem>>) semaphore(%run_scoped3A : memref<!tpu.dma_semaphore, #tpu.memory_space<semaphore_mem>>) {add = true}
        %dma_wait3A_34 = arith.constant 0 : i32
        %dma_wait3A_35 = tpu.memref_slice %arg12[%scan3A_19, %dma_wait3A_34] : memref<79x128xi32, #tpu.memory_space<vmem>> -> memref<1x128xi32, #tpu.memory_space<vmem>>
        %dma_wait3A_36 = tpu.memref_squeeze %dma_wait3A_35 : memref<1x128xi32, #tpu.memory_space<vmem>> -> memref<128xi32, #tpu.memory_space<vmem>>
        %dma_wait3A_37 = arith.constant 0 : i32
        %dma_wait3A_38 = arith.constant 0 : i32
        %dma_wait3A_39 = tpu.memref_slice %arg10[%dma_wait3A_37, %dma_wait3A_38] : memref<10112x128xf32, #tpu.memory_space<vmem_shared>> -> memref<10112x128xf32, #tpu.memory_space<vmem_shared>>
        tpu.wait_indirect_dma semaphore(%run_scoped3A : memref<!tpu.dma_semaphore, #tpu.memory_space<semaphore_mem>>) src(%arg15 : memref<128x128xf32, #tpu.memory_space<vmem>>) dst(%dma_wait3A_39 : memref<10112x128xf32, #tpu.memory_space<vmem_shared>>)
        tpu.yield
      }) : () -> ()
      "tpu.region"() ({
        %run_scoped3A = tpu.sem_alloc : memref<!tpu.dma_semaphore, #tpu.memory_space<semaphore_mem>>
        %dma_start3A_28 = arith.constant 0 : i32
        %dma_start3A_29 = tpu.memref_slice %arg12[%scan3A_19, %dma_start3A_28] : memref<79x128xi32, #tpu.memory_space<vmem>> -> memref<1x128xi32, #tpu.memory_space<vmem>>
        %dma_start3A_30 = tpu.memref_squeeze %dma_start3A_29 : memref<1x128xi32, #tpu.memory_space<vmem>> -> memref<128xi32, #tpu.memory_space<vmem>>
        %dma_start3A_31 = arith.constant 0 : i32
        %dma_start3A_32 = tpu.memref_slice %arg11[%dma_start3A_31] : memref<10240xf32, #tpu.memory_space<vmem_shared>> -> memref<10240xf32, #tpu.memory_space<vmem_shared>>
        tpu.enqueue_indirect_dma source(%arg14 : memref<128xf32, #tpu.memory_space<vmem>>) target(%dma_start3A_32 : memref<10240xf32, #tpu.memory_space<vmem_shared>>) offsets(%dma_start3A_30 : memref<128xi32, #tpu.memory_space<vmem>>) semaphore(%run_scoped3A : memref<!tpu.dma_semaphore, #tpu.memory_space<semaphore_mem>>) {add = true}
        %dma_wait3A_33 = arith.constant 0 : i32
        %dma_wait3A_34 = tpu.memref_slice %arg12[%scan3A_19, %dma_wait3A_33] : memref<79x128xi32, #tpu.memory_space<vmem>> -> memref<1x128xi32, #tpu.memory_space<vmem>>
        %dma_wait3A_35 = tpu.memref_squeeze %dma_wait3A_34 : memref<1x128xi32, #tpu.memory_space<vmem>> -> memref<128xi32, #tpu.memory_space<vmem>>
        %dma_wait3A_36 = arith.constant 0 : i32
        %dma_wait3A_37 = tpu.memref_slice %arg11[%dma_wait3A_36] : memref<10240xf32, #tpu.memory_space<vmem_shared>> -> memref<10240xf32, #tpu.memory_space<vmem_shared>>
        tpu.wait_indirect_dma semaphore(%run_scoped3A : memref<!tpu.dma_semaphore, #tpu.memory_space<semaphore_mem>>) src(%arg14 : memref<128xf32, #tpu.memory_space<vmem>>) dst(%dma_wait3A_37 : memref<10240xf32, #tpu.memory_space<vmem_shared>>)
        tpu.yield
      }) : () -> ()
    }
    %scan3A_9 = arith.constant 79 : i32
    %barrier3A_10 = arith.constant 0 : index
    tpu.barrier barrier_id(%barrier3A_10)
    %mul3A_11 = arith.constant 632 : i32
    %mul3A_12 = arith.muli %arg1, %mul3A_11 : i32
    %mul3A_13 = arith.constant 632 : i32
    %mul3A_14 = arith.muli %arg1, %mul3A_13 : i32
    "tpu.region"() ({
      %run_scoped3A = tpu.sem_alloc : memref<!tpu.dma_semaphore, #tpu.memory_space<semaphore_mem>>
      %dma_start3A = arith.constant 0 : i32
      %dma_start3A_19 = tpu.memref_slice %arg8[%arg0, %mul3A_14, %dma_start3A] : memref<2x10112x128xf32, #tpu.memory_space<hbm>> -> memref<1x632x128xf32, #tpu.memory_space<hbm>>
      %dma_start3A_20 = tpu.memref_squeeze %dma_start3A_19 : memref<1x632x128xf32, #tpu.memory_space<hbm>> -> memref<632x128xf32, #tpu.memory_space<hbm>>
      %dma_start3A_21 = arith.constant 0 : i32
      %dma_start3A_22 = tpu.memref_slice %arg10[%mul3A_12, %dma_start3A_21] : memref<10112x128xf32, #tpu.memory_space<vmem_shared>> -> memref<632x128xf32, #tpu.memory_space<vmem_shared>>
      tpu.enqueue_dma source(%dma_start3A_22 : memref<632x128xf32, #tpu.memory_space<vmem_shared>>) target(%dma_start3A_20 : memref<632x128xf32, #tpu.memory_space<hbm>>) target_semaphore(%run_scoped3A : memref<!tpu.dma_semaphore, #tpu.memory_space<semaphore_mem>>)
      %dma_wait3A = arith.constant 0 : i32
      %dma_wait3A_23 = tpu.memref_slice %arg8[%arg0, %mul3A_14, %dma_wait3A] : memref<2x10112x128xf32, #tpu.memory_space<hbm>> -> memref<1x632x128xf32, #tpu.memory_space<hbm>>
      %dma_wait3A_24 = tpu.memref_squeeze %dma_wait3A_23 : memref<1x632x128xf32, #tpu.memory_space<hbm>> -> memref<632x128xf32, #tpu.memory_space<hbm>>
      %dma_wait3A_25 = arith.constant 0 : i32
      %dma_wait3A_26 = tpu.memref_slice %arg10[%mul3A_12, %dma_wait3A_25] : memref<10112x128xf32, #tpu.memory_space<vmem_shared>> -> memref<632x128xf32, #tpu.memory_space<vmem_shared>>
      tpu.wait_dma2 semaphore(%run_scoped3A : memref<!tpu.dma_semaphore, #tpu.memory_space<semaphore_mem>>) src(%dma_wait3A_26 : memref<632x128xf32, #tpu.memory_space<vmem_shared>>) dst(%dma_wait3A_24 : memref<632x128xf32, #tpu.memory_space<hbm>>)
      tpu.yield
    }) : () -> ()
    %mul3A_15 = arith.constant 640 : i32
    %mul3A_16 = arith.muli %arg1, %mul3A_15 : i32
    %mul3A_17 = arith.constant 640 : i32
    %mul3A_18 = arith.muli %arg1, %mul3A_17 : i32
    "tpu.region"() ({
      %run_scoped3A = tpu.sem_alloc : memref<!tpu.dma_semaphore, #tpu.memory_space<semaphore_mem>>
      %dma_start3A = tpu.memref_slice %arg9[%arg0, %mul3A_18] : memref<2x10240xf32, #tpu.memory_space<hbm>> -> memref<1x640xf32, #tpu.memory_space<hbm>>
      %dma_start3A_19 = tpu.memref_squeeze %dma_start3A : memref<1x640xf32, #tpu.memory_space<hbm>> -> memref<640xf32, #tpu.memory_space<hbm>>
      %dma_start3A_20 = tpu.memref_slice %arg11[%mul3A_16] : memref<10240xf32, #tpu.memory_space<vmem_shared>> -> memref<640xf32, #tpu.memory_space<vmem_shared>>
      tpu.enqueue_dma source(%dma_start3A_20 : memref<640xf32, #tpu.memory_space<vmem_shared>>) target(%dma_start3A_19 : memref<640xf32, #tpu.memory_space<hbm>>) target_semaphore(%run_scoped3A : memref<!tpu.dma_semaphore, #tpu.memory_space<semaphore_mem>>)
      %dma_wait3A = tpu.memref_slice %arg9[%arg0, %mul3A_18] : memref<2x10240xf32, #tpu.memory_space<hbm>> -> memref<1x640xf32, #tpu.memory_space<hbm>>
      %dma_wait3A_21 = tpu.memref_squeeze %dma_wait3A : memref<1x640xf32, #tpu.memory_space<hbm>> -> memref<640xf32, #tpu.memory_space<hbm>>
      %dma_wait3A_22 = tpu.memref_slice %arg11[%mul3A_16] : memref<10240xf32, #tpu.memory_space<vmem_shared>> -> memref<640xf32, #tpu.memory_space<vmem_shared>>
      tpu.wait_dma2 semaphore(%run_scoped3A : memref<!tpu.dma_semaphore, #tpu.memory_space<semaphore_mem>>) src(%dma_wait3A_22 : memref<640xf32, #tpu.memory_space<vmem_shared>>) dst(%dma_wait3A_21 : memref<640xf32, #tpu.memory_space<hbm>>)
      tpu.yield
    }) : () -> ()
    return
  }
}

#map = affine_map<(d0, d1) -> (0, 0)>
#map1 = affine_map<(d0, d1) -> (0, 0, 0)>
#map2 = affine_map<(d0, d1) -> (0)>
module attributes {stable_mosaic.version = 14 : i64} {
  func.func @body(%arg0: i32, %arg1: i32, %arg2: memref<10000x128xf32, #tpu.memory_space<hbm>>, %arg3: memref<32x10112xi32, #tpu.memory_space<hbm>>, %arg4: memref<32x79x128xi32, #tpu.memory_space<hbm>>, %arg5: memref<632x128xf32, #tpu.memory_space<hbm>>, %arg6: memref<640xf32, #tpu.memory_space<hbm>>, %arg7: memref<128xf32, #tpu.memory_space<hbm>>, %arg8: memref<2x10112x128xf32, #tpu.memory_space<hbm>>, %arg9: memref<10112x128xf32, #tpu.memory_space<vmem_shared>>, %arg10: memref<10240xf32, #tpu.memory_space<vmem_shared>>, %arg11: memref<79x128xi32, #tpu.memory_space<vmem>>, %arg12: memref<!tpu.dma_semaphore, #tpu.memory_space<semaphore_mem>>, %arg13: memref<128xf32, #tpu.memory_space<vmem>>, %arg14: memref<128x128xf32, #tpu.memory_space<vmem>>, %arg15: memref<10112xi32, #tpu.memory_space<vmem>>) attributes {dimension_semantics = [#tpu.dimension_semantics<core_parallel>, #tpu.dimension_semantics<subcore_parallel>], iteration_bounds = array<i64: 2, 16>, scalar_prefetch = 0 : i64, scratch_operands = 7 : i64, tpu.core_type = #tpu.core_type<sc_vector_subcore>, window_params = [{transform_indices = #map}, {transform_indices = #map}, {transform_indices = #map1}, {transform_indices = #map}, {transform_indices = #map2}, {transform_indices = #map2}, {transform_indices = #map1}]} {
    %mul3A = arith.constant 16 : i32
    %mul3A_0 = arith.muli %arg0, %mul3A : i32
    %add3A = arith.addi %mul3A_0, %arg1 : i32
    "tpu.region"() ({
      %run_scoped3A = tpu.sem_alloc : memref<!tpu.dma_semaphore, #tpu.memory_space<semaphore_mem>>
      %dma_start3A = arith.constant 0 : i32
      %dma_start3A_13 = tpu.memref_slice %arg3[%add3A, %dma_start3A] : memref<32x10112xi32, #tpu.memory_space<hbm>> -> memref<1x10112xi32, #tpu.memory_space<hbm>>
      %dma_start3A_14 = tpu.memref_squeeze %dma_start3A_13 : memref<1x10112xi32, #tpu.memory_space<hbm>> -> memref<10112xi32, #tpu.memory_space<hbm>>
      %dma_start3A_15 = arith.constant 0 : i32
      %dma_start3A_16 = tpu.memref_slice %arg3[%add3A, %dma_start3A_15] : memref<32x10112xi32, #tpu.memory_space<hbm>> -> memref<1x10112xi32, #tpu.memory_space<hbm>>
      %dma_start3A_17 = tpu.memref_squeeze %dma_start3A_16 : memref<1x10112xi32, #tpu.memory_space<hbm>> -> memref<10112xi32, #tpu.memory_space<hbm>>
      tpu.enqueue_dma source(%dma_start3A_17 : memref<10112xi32, #tpu.memory_space<hbm>>) target(%arg15 : memref<10112xi32, #tpu.memory_space<vmem>>) target_semaphore(%run_scoped3A : memref<!tpu.dma_semaphore, #tpu.memory_space<semaphore_mem>>)
      %dma_wait3A = arith.constant 0 : i32
      %dma_wait3A_18 = tpu.memref_slice %arg3[%add3A, %dma_wait3A] : memref<32x10112xi32, #tpu.memory_space<hbm>> -> memref<1x10112xi32, #tpu.memory_space<hbm>>
      %dma_wait3A_19 = tpu.memref_squeeze %dma_wait3A_18 : memref<1x10112xi32, #tpu.memory_space<hbm>> -> memref<10112xi32, #tpu.memory_space<hbm>>
      %dma_wait3A_20 = arith.constant 0 : i32
      %dma_wait3A_21 = tpu.memref_slice %arg3[%add3A, %dma_wait3A_20] : memref<32x10112xi32, #tpu.memory_space<hbm>> -> memref<1x10112xi32, #tpu.memory_space<hbm>>
      %dma_wait3A_22 = tpu.memref_squeeze %dma_wait3A_21 : memref<1x10112xi32, #tpu.memory_space<hbm>> -> memref<10112xi32, #tpu.memory_space<hbm>>
      tpu.wait_dma2 semaphore(%run_scoped3A : memref<!tpu.dma_semaphore, #tpu.memory_space<semaphore_mem>>) src(%dma_wait3A_22 : memref<10112xi32, #tpu.memory_space<hbm>>) dst(%arg15 : memref<10112xi32, #tpu.memory_space<vmem>>)
      tpu.yield
    }) : () -> ()
    "tpu.region"() ({
      %run_scoped3A = tpu.sem_alloc : memref<!tpu.dma_semaphore, #tpu.memory_space<semaphore_mem>>
      %dma_start3A = arith.constant 0 : i32
      %dma_start3A_13 = arith.constant 0 : i32
      %dma_start3A_14 = tpu.memref_slice %arg4[%add3A, %dma_start3A, %dma_start3A_13] : memref<32x79x128xi32, #tpu.memory_space<hbm>> -> memref<1x79x128xi32, #tpu.memory_space<hbm>>
      %dma_start3A_15 = tpu.memref_squeeze %dma_start3A_14 : memref<1x79x128xi32, #tpu.memory_space<hbm>> -> memref<79x128xi32, #tpu.memory_space<hbm>>
      %dma_start3A_16 = arith.constant 0 : i32
      %dma_start3A_17 = arith.constant 0 : i32
      %dma_start3A_18 = tpu.memref_slice %arg4[%add3A, %dma_start3A_16, %dma_start3A_17] : memref<32x79x128xi32, #tpu.memory_space<hbm>> -> memref<1x79x128xi32, #tpu.memory_space<hbm>>
      %dma_start3A_19 = tpu.memref_squeeze %dma_start3A_18 : memref<1x79x128xi32, #tpu.memory_space<hbm>> -> memref<79x128xi32, #tpu.memory_space<hbm>>
      tpu.enqueue_dma source(%dma_start3A_19 : memref<79x128xi32, #tpu.memory_space<hbm>>) target(%arg11 : memref<79x128xi32, #tpu.memory_space<vmem>>) target_semaphore(%run_scoped3A : memref<!tpu.dma_semaphore, #tpu.memory_space<semaphore_mem>>)
      %dma_wait3A = arith.constant 0 : i32
      %dma_wait3A_20 = arith.constant 0 : i32
      %dma_wait3A_21 = tpu.memref_slice %arg4[%add3A, %dma_wait3A, %dma_wait3A_20] : memref<32x79x128xi32, #tpu.memory_space<hbm>> -> memref<1x79x128xi32, #tpu.memory_space<hbm>>
      %dma_wait3A_22 = tpu.memref_squeeze %dma_wait3A_21 : memref<1x79x128xi32, #tpu.memory_space<hbm>> -> memref<79x128xi32, #tpu.memory_space<hbm>>
      %dma_wait3A_23 = arith.constant 0 : i32
      %dma_wait3A_24 = arith.constant 0 : i32
      %dma_wait3A_25 = tpu.memref_slice %arg4[%add3A, %dma_wait3A_23, %dma_wait3A_24] : memref<32x79x128xi32, #tpu.memory_space<hbm>> -> memref<1x79x128xi32, #tpu.memory_space<hbm>>
      %dma_wait3A_26 = tpu.memref_squeeze %dma_wait3A_25 : memref<1x79x128xi32, #tpu.memory_space<hbm>> -> memref<79x128xi32, #tpu.memory_space<hbm>>
      tpu.wait_dma2 semaphore(%run_scoped3A : memref<!tpu.dma_semaphore, #tpu.memory_space<semaphore_mem>>) src(%dma_wait3A_26 : memref<79x128xi32, #tpu.memory_space<hbm>>) dst(%arg11 : memref<79x128xi32, #tpu.memory_space<vmem>>)
      tpu.yield
    }) : () -> ()
    %mul3A_1 = arith.constant 632 : i32
    %mul3A_2 = arith.muli %arg1, %mul3A_1 : i32
    "tpu.region"() ({
      %run_scoped3A = tpu.sem_alloc : memref<!tpu.dma_semaphore, #tpu.memory_space<semaphore_mem>>
      %dma_start3A = arith.constant 0 : i32
      %dma_start3A_13 = tpu.memref_slice %arg9[%mul3A_2, %dma_start3A] : memref<10112x128xf32, #tpu.memory_space<vmem_shared>> -> memref<632x128xf32, #tpu.memory_space<vmem_shared>>
      tpu.enqueue_dma source(%arg5 : memref<632x128xf32, #tpu.memory_space<hbm>>) target(%dma_start3A_13 : memref<632x128xf32, #tpu.memory_space<vmem_shared>>) target_semaphore(%run_scoped3A : memref<!tpu.dma_semaphore, #tpu.memory_space<semaphore_mem>>)
      %dma_wait3A = arith.constant 0 : i32
      %dma_wait3A_14 = tpu.memref_slice %arg9[%mul3A_2, %dma_wait3A] : memref<10112x128xf32, #tpu.memory_space<vmem_shared>> -> memref<632x128xf32, #tpu.memory_space<vmem_shared>>
      tpu.wait_dma2 semaphore(%run_scoped3A : memref<!tpu.dma_semaphore, #tpu.memory_space<semaphore_mem>>) src(%arg5 : memref<632x128xf32, #tpu.memory_space<hbm>>) dst(%dma_wait3A_14 : memref<632x128xf32, #tpu.memory_space<vmem_shared>>)
      tpu.yield
    }) : () -> ()
    %barrier3A = arith.constant 0 : index
    tpu.barrier barrier_id(%barrier3A)
    %scan3A = arith.constant 0 : i32
    %scan3A_3 = arith.constant 0 : i32
    %scan3A_4 = arith.constant 79 : i32
    %scan3A_5 = arith.addi %scan3A_3, %scan3A_4 : i32
    %scan3A_6 = arith.constant 1 : i32
    scf.for %scan3A_13 = %scan3A_3 to %scan3A_5 step %scan3A_6  : i32 {
      %mul3A_14 = arith.constant 128 : i32
      %mul3A_15 = arith.muli %scan3A_13, %mul3A_14 : i32
      %dma_start3A = tpu.memref_slice %arg15[%mul3A_15] : memref<10112xi32, #tpu.memory_space<vmem>> -> memref<128xi32, #tpu.memory_space<vmem>>
      %dma_start3A_16 = arith.constant 0 : i32
      %dma_start3A_17 = arith.constant 0 : i32
      %dma_start3A_18 = tpu.memref_slice %arg2[%dma_start3A_16, %dma_start3A_17] : memref<10000x128xf32, #tpu.memory_space<hbm>> -> memref<10000x128xf32, #tpu.memory_space<hbm>>
      tpu.enqueue_indirect_dma source(%dma_start3A_18 : memref<10000x128xf32, #tpu.memory_space<hbm>>) target(%arg14 : memref<128x128xf32, #tpu.memory_space<vmem>>) offsets(%dma_start3A : memref<128xi32, #tpu.memory_space<vmem>>) semaphore(%arg12 : memref<!tpu.dma_semaphore, #tpu.memory_space<semaphore_mem>>)
      %dma_wait3A = tpu.memref_slice %arg15[%mul3A_15] : memref<10112xi32, #tpu.memory_space<vmem>> -> memref<128xi32, #tpu.memory_space<vmem>>
      %dma_wait3A_19 = arith.constant 0 : i32
      %dma_wait3A_20 = arith.constant 0 : i32
      %dma_wait3A_21 = tpu.memref_slice %arg2[%dma_wait3A_19, %dma_wait3A_20] : memref<10000x128xf32, #tpu.memory_space<hbm>> -> memref<10000x128xf32, #tpu.memory_space<hbm>>
      tpu.wait_indirect_dma semaphore(%arg12 : memref<!tpu.dma_semaphore, #tpu.memory_space<semaphore_mem>>) src(%dma_wait3A_21 : memref<10000x128xf32, #tpu.memory_space<hbm>>) dst(%arg14 : memref<128x128xf32, #tpu.memory_space<vmem>>)
      "tpu.region"() ({
        %run_scoped3A = tpu.sem_alloc : memref<!tpu.dma_semaphore, #tpu.memory_space<semaphore_mem>>
        %dma_start3A_22 = arith.constant 0 : i32
        %dma_start3A_23 = tpu.memref_slice %arg11[%scan3A_13, %dma_start3A_22] : memref<79x128xi32, #tpu.memory_space<vmem>> -> memref<1x128xi32, #tpu.memory_space<vmem>>
        %dma_start3A_24 = tpu.memref_squeeze %dma_start3A_23 : memref<1x128xi32, #tpu.memory_space<vmem>> -> memref<128xi32, #tpu.memory_space<vmem>>
        %dma_start3A_25 = arith.constant 0 : i32
        %dma_start3A_26 = arith.constant 0 : i32
        %dma_start3A_27 = tpu.memref_slice %arg9[%dma_start3A_25, %dma_start3A_26] : memref<10112x128xf32, #tpu.memory_space<vmem_shared>> -> memref<10112x128xf32, #tpu.memory_space<vmem_shared>>
        tpu.enqueue_indirect_dma source(%arg14 : memref<128x128xf32, #tpu.memory_space<vmem>>) target(%dma_start3A_27 : memref<10112x128xf32, #tpu.memory_space<vmem_shared>>) offsets(%dma_start3A_24 : memref<128xi32, #tpu.memory_space<vmem>>) semaphore(%run_scoped3A : memref<!tpu.dma_semaphore, #tpu.memory_space<semaphore_mem>>) {add = true}
        %dma_wait3A_28 = arith.constant 0 : i32
        %dma_wait3A_29 = tpu.memref_slice %arg11[%scan3A_13, %dma_wait3A_28] : memref<79x128xi32, #tpu.memory_space<vmem>> -> memref<1x128xi32, #tpu.memory_space<vmem>>
        %dma_wait3A_30 = tpu.memref_squeeze %dma_wait3A_29 : memref<1x128xi32, #tpu.memory_space<vmem>> -> memref<128xi32, #tpu.memory_space<vmem>>
        %dma_wait3A_31 = arith.constant 0 : i32
        %dma_wait3A_32 = arith.constant 0 : i32
        %dma_wait3A_33 = tpu.memref_slice %arg9[%dma_wait3A_31, %dma_wait3A_32] : memref<10112x128xf32, #tpu.memory_space<vmem_shared>> -> memref<10112x128xf32, #tpu.memory_space<vmem_shared>>
        tpu.wait_indirect_dma semaphore(%run_scoped3A : memref<!tpu.dma_semaphore, #tpu.memory_space<semaphore_mem>>) src(%arg14 : memref<128x128xf32, #tpu.memory_space<vmem>>) dst(%dma_wait3A_33 : memref<10112x128xf32, #tpu.memory_space<vmem_shared>>)
        tpu.yield
      }) : () -> ()
    }
    %scan3A_7 = arith.constant 79 : i32
    %barrier3A_8 = arith.constant 0 : index
    tpu.barrier barrier_id(%barrier3A_8)
    %mul3A_9 = arith.constant 632 : i32
    %mul3A_10 = arith.muli %arg1, %mul3A_9 : i32
    %mul3A_11 = arith.constant 632 : i32
    %mul3A_12 = arith.muli %arg1, %mul3A_11 : i32
    "tpu.region"() ({
      %run_scoped3A = tpu.sem_alloc : memref<!tpu.dma_semaphore, #tpu.memory_space<semaphore_mem>>
      %dma_start3A = arith.constant 0 : i32
      %dma_start3A_13 = tpu.memref_slice %arg8[%arg0, %mul3A_12, %dma_start3A] : memref<2x10112x128xf32, #tpu.memory_space<hbm>> -> memref<1x632x128xf32, #tpu.memory_space<hbm>>
      %dma_start3A_14 = tpu.memref_squeeze %dma_start3A_13 : memref<1x632x128xf32, #tpu.memory_space<hbm>> -> memref<632x128xf32, #tpu.memory_space<hbm>>
      %dma_start3A_15 = arith.constant 0 : i32
      %dma_start3A_16 = tpu.memref_slice %arg9[%mul3A_10, %dma_start3A_15] : memref<10112x128xf32, #tpu.memory_space<vmem_shared>> -> memref<632x128xf32, #tpu.memory_space<vmem_shared>>
      tpu.enqueue_dma source(%dma_start3A_16 : memref<632x128xf32, #tpu.memory_space<vmem_shared>>) target(%dma_start3A_14 : memref<632x128xf32, #tpu.memory_space<hbm>>) target_semaphore(%run_scoped3A : memref<!tpu.dma_semaphore, #tpu.memory_space<semaphore_mem>>)
      %dma_wait3A = arith.constant 0 : i32
      %dma_wait3A_17 = tpu.memref_slice %arg8[%arg0, %mul3A_12, %dma_wait3A] : memref<2x10112x128xf32, #tpu.memory_space<hbm>> -> memref<1x632x128xf32, #tpu.memory_space<hbm>>
      %dma_wait3A_18 = tpu.memref_squeeze %dma_wait3A_17 : memref<1x632x128xf32, #tpu.memory_space<hbm>> -> memref<632x128xf32, #tpu.memory_space<hbm>>
      %dma_wait3A_19 = arith.constant 0 : i32
      %dma_wait3A_20 = tpu.memref_slice %arg9[%mul3A_10, %dma_wait3A_19] : memref<10112x128xf32, #tpu.memory_space<vmem_shared>> -> memref<632x128xf32, #tpu.memory_space<vmem_shared>>
      tpu.wait_dma2 semaphore(%run_scoped3A : memref<!tpu.dma_semaphore, #tpu.memory_space<semaphore_mem>>) src(%dma_wait3A_20 : memref<632x128xf32, #tpu.memory_space<vmem_shared>>) dst(%dma_wait3A_18 : memref<632x128xf32, #tpu.memory_space<hbm>>)
      tpu.yield
    }) : () -> ()
    return
  }
}

module attributes {stable_mosaic.version = 14 : i64} {
  func.func @body(%arg0: i32, %arg1: memref<2000x128xf32, #tpu.memory_space<vmem>>, %arg2: memref<2000x128xf32, #tpu.memory_space<vmem>>, %arg3: memref<2000x128xf32, #tpu.memory_space<vmem>>, %arg4: memref<2000x2xf32, #tpu.memory_space<vmem>>, %arg5: memref<128x128xf32, #tpu.memory_space<vmem>>, %arg6: memref<128x128xf32, #tpu.memory_space<vmem>>, %arg7: memref<1x128xf32, #tpu.memory_space<vmem>>, %arg8: memref<2000x128xf32, #tpu.memory_space<vmem>>) attributes {dimension_semantics = [#tpu.dimension_semantics<arbitrary>], iteration_bounds = array<i64: 5>, scalar_prefetch = 0 : i64, scratch_operands = 0 : i64, tpu.core_type = #tpu.core_type<tc>, window_params = [{transform_indices = @transform_0, window_bounds = array<i64: 2000, 128>}, {transform_indices = @transform_1, window_bounds = array<i64: 2000, 128>}, {transform_indices = @transform_2, window_bounds = array<i64: 2000, 128>}, {transform_indices = @transform_3, window_bounds = array<i64: 2000, 2>}, {pipeline_mode = #tpu.pipeline_mode<synchronous>, transform_indices = @transform_4, window_bounds = array<i64: 128, 128>}, {pipeline_mode = #tpu.pipeline_mode<synchronous>, transform_indices = @transform_5, window_bounds = array<i64: 128, 128>}, {pipeline_mode = #tpu.pipeline_mode<synchronous>, transform_indices = @transform_6, window_bounds = array<i64: 1, 128>}, {transform_indices = @transform_7, window_bounds = array<i64: 2000, 128>}]} {
    %get3A = arith.constant 0 : index
    %get3A_0 = arith.constant 0 : index
    %get3A_1 = vector.load %arg2[%get3A, %get3A_0] : memref<2000x128xf32, #tpu.memory_space<vmem>>, vector<2000x128xf32>
    %get3A_2 = arith.constant 0 : index
    %get3A_3 = arith.constant 0 : index
    %get3A_4 = vector.load %arg3[%get3A_2, %get3A_3] : memref<2000x128xf32, #tpu.memory_space<vmem>>, vector<2000x128xf32>
    %add3A = arith.addf %get3A_1, %get3A_4 : vector<2000x128xf32>
    %get3A_5 = arith.constant 0 : index
    %get3A_6 = arith.constant 0 : index
    %get3A_7 = vector.load %arg4[%get3A_5, %get3A_6] : memref<2000x2xf32, #tpu.memory_space<vmem>>, vector<2000x1xf32>
    %get3A_8 = vector.shape_cast %get3A_7 : vector<2000x1xf32> to vector<2000xf32>
    %get3A_9 = arith.constant 0 : index
    %get3A_10 = arith.constant 1 : index
    %get3A_11 = vector.load %arg4[%get3A_9, %get3A_10] : memref<2000x2xf32, #tpu.memory_space<vmem>>, vector<2000x1xf32>
    %get3A_12 = vector.shape_cast %get3A_11 : vector<2000x1xf32> to vector<2000xf32>
    %add3A_13 = arith.addf %get3A_8, %get3A_12 : vector<2000xf32>
    %max3A = arith.constant 1.000000e+00 : f32
    %max3A_14 = vector.broadcast %max3A : f32 to vector<2000xf32>
    %max3A_15 = arith.maximumf %add3A_13, %max3A_14 : vector<2000xf32>
    %div3A = arith.constant 1.000000e+00 : f32
    %div3A_16 = vector.broadcast %div3A : f32 to vector<2000xf32>
    %div3A_17 = arith.divf %div3A_16, %max3A_15 : vector<2000xf32>
    %broadcast_in_dim3A = vector.shape_cast %div3A_17 : vector<2000xf32> to vector<2000x1xf32>
    %mul3A = vector.broadcast %broadcast_in_dim3A : vector<2000x1xf32> to vector<2000x128xf32>
    %mul3A_18 = arith.mulf %add3A, %mul3A : vector<2000x128xf32>
    %get3A_19 = arith.constant 0 : index
    %get3A_20 = arith.constant 0 : index
    %get3A_21 = vector.load %arg1[%get3A_19, %get3A_20] : memref<2000x128xf32, #tpu.memory_space<vmem>>, vector<2000x128xf32>
    %get3A_22 = arith.constant 0 : index
    %get3A_23 = arith.constant 0 : index
    %get3A_24 = vector.load %arg5[%get3A_22, %get3A_23] : memref<128x128xf32, #tpu.memory_space<vmem>>, vector<128x128xf32>
    %dot_general3A = arith.constant dense<0.000000e+00> : vector<2000x128xf32>
    %dot_general3A_25 = tpu.matmul %get3A_21, %get3A_24, %dot_general3A {dimension_numbers = #tpu.dot_dimension_numbers<[1], [0], [0], [1], [0, 0, 1, 1], [], []>, transpose_lhs_hint = false} : vector<2000x128xf32>, vector<128x128xf32>, vector<2000x128xf32> -> vector<2000x128xf32>
    %get3A_26 = arith.constant 0 : index
    %get3A_27 = arith.constant 0 : index
    %get3A_28 = vector.load %arg6[%get3A_26, %get3A_27] : memref<128x128xf32, #tpu.memory_space<vmem>>, vector<128x128xf32>
    %dot_general3A_29 = arith.constant dense<0.000000e+00> : vector<2000x128xf32>
    %dot_general3A_30 = tpu.matmul %mul3A_18, %get3A_28, %dot_general3A_29 {dimension_numbers = #tpu.dot_dimension_numbers<[1], [0], [0], [1], [0, 0, 1, 1], [], []>, transpose_lhs_hint = false} : vector<2000x128xf32>, vector<128x128xf32>, vector<2000x128xf32> -> vector<2000x128xf32>
    %add3A_31 = arith.addf %dot_general3A_25, %dot_general3A_30 : vector<2000x128xf32>
    %get3A_32 = arith.constant 0 : index
    %get3A_33 = arith.constant 0 : index
    %get3A_34 = vector.load %arg7[%get3A_32, %get3A_33] : memref<1x128xf32, #tpu.memory_space<vmem>>, vector<1x128xf32>
    %add3A_35 = vector.broadcast %get3A_34 : vector<1x128xf32> to vector<2000x128xf32>
    %add3A_36 = arith.addf %add3A_31, %add3A_35 : vector<2000x128xf32>
    %max3A_37 = arith.constant 0.000000e+00 : f32
    %max3A_38 = vector.broadcast %max3A_37 : f32 to vector<2000x128xf32>
    %max3A_39 = arith.maximumf %add3A_36, %max3A_38 : vector<2000x128xf32>
    %swap3A = arith.constant 0 : index
    %swap3A_40 = arith.constant 0 : index
    %swap3A_41 = vector.load %arg8[%swap3A, %swap3A_40] : memref<2000x128xf32, #tpu.memory_space<vmem>>, vector<2000x128xf32>
    tpu.vector_store %arg8[%swap3A, %swap3A_40], %max3A_39 {strides = array<i32>} : memref<2000x128xf32, #tpu.memory_space<vmem>>, vector<2000x128xf32>,
    return
  }
  func.func @transform_0(%arg0: i32) -> (i32, i32) {
    %c0_i32 = arith.constant 0 : i32
    %c0_i32_0 = arith.constant 0 : i32
    return %arg0, %c0_i32 : i32, i32
  }
  func.func @transform_1(%arg0: i32) -> (i32, i32) {
    %c0_i32 = arith.constant 0 : i32
    %c0_i32_0 = arith.constant 0 : i32
    return %arg0, %c0_i32 : i32, i32
  }
  func.func @transform_2(%arg0: i32) -> (i32, i32) {
    %c0_i32 = arith.constant 0 : i32
    %c0_i32_0 = arith.constant 0 : i32
    return %arg0, %c0_i32 : i32, i32
  }
  func.func @transform_3(%arg0: i32) -> (i32, i32) {
    %c0_i32 = arith.constant 0 : i32
    %c0_i32_0 = arith.constant 0 : i32
    return %arg0, %c0_i32 : i32, i32
  }
  func.func @transform_4(%arg0: i32) -> (i32, i32) {
    %c0_i32 = arith.constant 0 : i32
    %c0_i32_0 = arith.constant 0 : i32
    %c0_i32_1 = arith.constant 0 : i32
    return %c0_i32, %c0_i32_0 : i32, i32
  }
  func.func @transform_5(%arg0: i32) -> (i32, i32) {
    %c0_i32 = arith.constant 0 : i32
    %c0_i32_0 = arith.constant 0 : i32
    %c0_i32_1 = arith.constant 0 : i32
    return %c0_i32, %c0_i32_0 : i32, i32
  }
  func.func @transform_6(%arg0: i32) -> (i32, i32) {
    %c0_i32 = arith.constant 0 : i32
    %c0_i32_0 = arith.constant 0 : i32
    %c0_i32_1 = arith.constant 0 : i32
    return %c0_i32, %c0_i32_0 : i32, i32
  }
  func.func @transform_7(%arg0: i32) -> (i32, i32) {
    %c0_i32 = arith.constant 0 : i32
    %c0_i32_0 = arith.constant 0 : i32
    return %arg0, %c0_i32 : i32, i32
  }
}

module attributes {stable_mosaic.version = 14 : i64} {
  func.func @body(%arg0: i32, %arg1: memref<2000x128xf32, #tpu.memory_space<vmem>>, %arg2: memref<2000x128xf32, #tpu.memory_space<vmem>>, %arg3: memref<2000x128xf32, #tpu.memory_space<vmem>>, %arg4: memref<2000x2xf32, #tpu.memory_space<vmem>>, %arg5: memref<128x128xf32, #tpu.memory_space<vmem>>, %arg6: memref<128x128xf32, #tpu.memory_space<vmem>>, %arg7: memref<1x128xf32, #tpu.memory_space<vmem>>, %arg8: memref<2000x128xf32, #tpu.memory_space<vmem>>) attributes {dimension_semantics = [#tpu.dimension_semantics<arbitrary>], iteration_bounds = array<i64: 5>, scalar_prefetch = 0 : i64, scratch_operands = 0 : i64, tpu.core_type = #tpu.core_type<tc>, window_params = [{transform_indices = @transform_0, window_bounds = array<i64: 2000, 128>}, {transform_indices = @transform_1, window_bounds = array<i64: 2000, 128>}, {transform_indices = @transform_2, window_bounds = array<i64: 2000, 128>}, {transform_indices = @transform_3, window_bounds = array<i64: 2000, 2>}, {pipeline_mode = #tpu.pipeline_mode<synchronous>, transform_indices = @transform_4, window_bounds = array<i64: 128, 128>}, {pipeline_mode = #tpu.pipeline_mode<synchronous>, transform_indices = @transform_5, window_bounds = array<i64: 128, 128>}, {pipeline_mode = #tpu.pipeline_mode<synchronous>, transform_indices = @transform_6, window_bounds = array<i64: 1, 128>}, {transform_indices = @transform_7, window_bounds = array<i64: 2000, 128>}]} {
    %get3A = arith.constant 0 : index
    %get3A_0 = arith.constant 0 : index
    %get3A_1 = vector.load %arg2[%get3A, %get3A_0] : memref<2000x128xf32, #tpu.memory_space<vmem>>, vector<2000x128xf32>
    %get3A_2 = arith.constant 0 : index
    %get3A_3 = arith.constant 0 : index
    %get3A_4 = vector.load %arg3[%get3A_2, %get3A_3] : memref<2000x128xf32, #tpu.memory_space<vmem>>, vector<2000x128xf32>
    %add3A = arith.addf %get3A_1, %get3A_4 : vector<2000x128xf32>
    %get3A_5 = arith.constant 0 : index
    %get3A_6 = arith.constant 0 : index
    %get3A_7 = vector.load %arg4[%get3A_5, %get3A_6] : memref<2000x2xf32, #tpu.memory_space<vmem>>, vector<2000x1xf32>
    %get3A_8 = vector.shape_cast %get3A_7 : vector<2000x1xf32> to vector<2000xf32>
    %get3A_9 = arith.constant 0 : index
    %get3A_10 = arith.constant 1 : index
    %get3A_11 = vector.load %arg4[%get3A_9, %get3A_10] : memref<2000x2xf32, #tpu.memory_space<vmem>>, vector<2000x1xf32>
    %get3A_12 = vector.shape_cast %get3A_11 : vector<2000x1xf32> to vector<2000xf32>
    %add3A_13 = arith.addf %get3A_8, %get3A_12 : vector<2000xf32>
    %max3A = arith.constant 1.000000e+00 : f32
    %max3A_14 = vector.broadcast %max3A : f32 to vector<2000xf32>
    %max3A_15 = arith.maximumf %add3A_13, %max3A_14 : vector<2000xf32>
    %div3A = arith.constant 1.000000e+00 : f32
    %div3A_16 = vector.broadcast %div3A : f32 to vector<2000xf32>
    %div3A_17 = arith.divf %div3A_16, %max3A_15 : vector<2000xf32>
    %broadcast_in_dim3A = vector.shape_cast %div3A_17 : vector<2000xf32> to vector<2000x1xf32>
    %mul3A = vector.broadcast %broadcast_in_dim3A : vector<2000x1xf32> to vector<2000x128xf32>
    %mul3A_18 = arith.mulf %add3A, %mul3A : vector<2000x128xf32>
    %get3A_19 = arith.constant 0 : index
    %get3A_20 = arith.constant 0 : index
    %get3A_21 = vector.load %arg1[%get3A_19, %get3A_20] : memref<2000x128xf32, #tpu.memory_space<vmem>>, vector<2000x128xf32>
    %get3A_22 = arith.constant 0 : index
    %get3A_23 = arith.constant 0 : index
    %get3A_24 = vector.load %arg5[%get3A_22, %get3A_23] : memref<128x128xf32, #tpu.memory_space<vmem>>, vector<128x128xf32>
    %dot_general3A = arith.constant dense<0.000000e+00> : vector<2000x128xf32>
    %dot_general3A_25 = tpu.matmul %get3A_21, %get3A_24, %dot_general3A {dimension_numbers = #tpu.dot_dimension_numbers<[1], [0], [0], [1], [0, 0, 1, 1], [], []>, transpose_lhs_hint = false} : vector<2000x128xf32>, vector<128x128xf32>, vector<2000x128xf32> -> vector<2000x128xf32>
    %get3A_26 = arith.constant 0 : index
    %get3A_27 = arith.constant 0 : index
    %get3A_28 = vector.load %arg6[%get3A_26, %get3A_27] : memref<128x128xf32, #tpu.memory_space<vmem>>, vector<128x128xf32>
    %dot_general3A_29 = arith.constant dense<0.000000e+00> : vector<2000x128xf32>
    %dot_general3A_30 = tpu.matmul %mul3A_18, %get3A_28, %dot_general3A_29 {dimension_numbers = #tpu.dot_dimension_numbers<[1], [0], [0], [1], [0, 0, 1, 1], [], []>, transpose_lhs_hint = false} : vector<2000x128xf32>, vector<128x128xf32>, vector<2000x128xf32> -> vector<2000x128xf32>
    %add3A_31 = arith.addf %dot_general3A_25, %dot_general3A_30 : vector<2000x128xf32>
    %get3A_32 = arith.constant 0 : index
    %get3A_33 = arith.constant 0 : index
    %get3A_34 = vector.load %arg7[%get3A_32, %get3A_33] : memref<1x128xf32, #tpu.memory_space<vmem>>, vector<1x128xf32>
    %add3A_35 = vector.broadcast %get3A_34 : vector<1x128xf32> to vector<2000x128xf32>
    %add3A_36 = arith.addf %add3A_31, %add3A_35 : vector<2000x128xf32>
    %swap3A = arith.constant 0 : index
    %swap3A_37 = arith.constant 0 : index
    %swap3A_38 = vector.load %arg8[%swap3A, %swap3A_37] : memref<2000x128xf32, #tpu.memory_space<vmem>>, vector<2000x128xf32>
    tpu.vector_store %arg8[%swap3A, %swap3A_37], %add3A_36 {strides = array<i32>} : memref<2000x128xf32, #tpu.memory_space<vmem>>, vector<2000x128xf32>,
    return
  }
  func.func @transform_0(%arg0: i32) -> (i32, i32) {
    %c0_i32 = arith.constant 0 : i32
    %c0_i32_0 = arith.constant 0 : i32
    return %arg0, %c0_i32 : i32, i32
  }
  func.func @transform_1(%arg0: i32) -> (i32, i32) {
    %c0_i32 = arith.constant 0 : i32
    %c0_i32_0 = arith.constant 0 : i32
    return %arg0, %c0_i32 : i32, i32
  }
  func.func @transform_2(%arg0: i32) -> (i32, i32) {
    %c0_i32 = arith.constant 0 : i32
    %c0_i32_0 = arith.constant 0 : i32
    return %arg0, %c0_i32 : i32, i32
  }
  func.func @transform_3(%arg0: i32) -> (i32, i32) {
    %c0_i32 = arith.constant 0 : i32
    %c0_i32_0 = arith.constant 0 : i32
    return %arg0, %c0_i32 : i32, i32
  }
  func.func @transform_4(%arg0: i32) -> (i32, i32) {
    %c0_i32 = arith.constant 0 : i32
    %c0_i32_0 = arith.constant 0 : i32
    %c0_i32_1 = arith.constant 0 : i32
    return %c0_i32, %c0_i32_0 : i32, i32
  }
  func.func @transform_5(%arg0: i32) -> (i32, i32) {
    %c0_i32 = arith.constant 0 : i32
    %c0_i32_0 = arith.constant 0 : i32
    %c0_i32_1 = arith.constant 0 : i32
    return %c0_i32, %c0_i32_0 : i32, i32
  }
  func.func @transform_6(%arg0: i32) -> (i32, i32) {
    %c0_i32 = arith.constant 0 : i32
    %c0_i32_0 = arith.constant 0 : i32
    %c0_i32_1 = arith.constant 0 : i32
    return %c0_i32, %c0_i32_0 : i32, i32
  }
  func.func @transform_7(%arg0: i32) -> (i32, i32) {
    %c0_i32 = arith.constant 0 : i32
    %c0_i32_0 = arith.constant 0 : i32
    return %arg0, %c0_i32 : i32, i32
  }
}

</mosaic_0001>

<sc_bundles>
// kernel: kernel.6.cloned.1.call-start
scs
__scs_entry_jumppad:
0x0: {  	(pc) =	sbr.rel $0x88, $3  }
0x1: {  	(tag) =	ssettag $0x0;
	lr =	simm.s32 $0x1  }
0x2: {  	[smem:$0x3F99] =	sst lr;
	_ =	strace $0xD0000000  }
0x3: {  	_ = 	snop  }
0x4: {  	_ = 	snop  }
0x5: {  	_ = 	snop  }
0x6: {  	_ = 	snop  }
0x7: {  	_ = 	snop  }
__scs_overlays_trampoline_lowered:
0x8: {  	[smem:$0x3FA8] =	sst s0  }
0x9: {  	[smem:$0x3FA9] =	sst s1  }
0xa: {  	[smem:$0x3FAA] =	sst s2  }
0xb: {  	[smem:$0x3FAB] =	sst s3  }
0xc: {  	[smem:$0x3FAC] =	sst s4  }
0xd: {  	[smem:$0x3FAD] =	sst s5  }
0xe: {  	[smem:$0x3FAE] =	sst s6  }
0xf: {  	[smem:$0x3FAF] =	sst s7  }
0x10: {  	[smem:$0x3FB0] =	sst s8  }
0x11: {  	[smem:$0x3FB1] =	sst s9;
	s0 =	simm.s32 @!p0 $0x0  }
0x12: {  	s1 =	sld [smem:$0x3F97];
	s0 =	simm.s32 @p0 $0x1  }
0x13: {  	[smem:$0x3FB2] =	sst s0;
	s0 =	simm.s32 @!p1 $0x0  }
0x14: {  	s2 =	sld [smem:$0x3F96];
	s0 =	simm.s32 @p1 $0x1  }
0x15: {  	[smem:$0x3FB3] =	sst s0;
	s0 =	simm.s32 @!p2 $0x0  }
0x16: {  	s3 =	sld [smem:$0x3FDB];
	s0 =	simm.s32 @p2 $0x1  }
0x17: {  	s4 =	simm.s32 $0x1BF5;
	[smem:$0x3FB5] =	sst s0  }
0x18: {  	s0 =	sld [smem:$0x3F98];
	_ =	swait.ge [sflag:s4], $0x0  }
0x19: {  	s7 =	sld [smem:$0x3F99]  }
0x1a: {  	s8 =	sadd.s32 $0xFFFFE003, lr  }
0x1b: {  	s9 =	sadd.s32 $0xFFFFFEF7, lr;
	s5 =	simm.s32 $0xFFFFFFFF;
	p2 =	slt.u32 s8, $0xFFFFF086  }
0x1c: {  	p1 =	slt.u32 s9, $0xF7A;
	s5 =	simm.s32 @!p2 $0x0  }
0x1d: {  	s5 =	simm.s32 @p1 $0x1;
	p0 =	seq.s32 s7, s2  }
0x1e: {  	s7 =	smul.u32 @!p0 $0xF7A, s2;
	p2 =	seq.s32 @!p0 s5, $0x0  }
0x1f: {  	s9 =	smul.u32 $0xF7A, s1;
	s8 =	simm.s32 @!p0 $0x1BF5;
	p2 =	por !p2, p0  }
0x20: {  	[sflag:s8] =	ssyncset.s32 @!p0 $0xFFFFF086;
	s6 =	sadd.s32 @!p0 s3, s7;
	s7 =	simm.s32 @!p0 $0x108  }
0x21: {  	s3 =	sadd.s32 s3, s9;
	s6 =	sadd.s32 @!p0 $0x88, s6;
	s7 =	simm.s32 @p2 $0x1082  }
0x22: {  	[simem:s7], [sflag:s8] =	dma.local @!p0 [hbm:s6], $0xF7A  }
0x23: {  	s9 =	sor.u32 $0xD0000000, s2;
	s6 =	simm.s32 $0x108;
	_ =	swait.ge @!p0 [sflag:s8], $0x0  }
0x24: {  	s3 =	sadd.s32 $0x88, s3;
	s6 =	simm.s32 @!p1 $0x1082;
	[sflag:s4] =	ssyncset.s32 $0xFFFFF086  }
0x25: {  	[simem:s6], [sflag:s4] =	dma.local [hbm:s3], $0xF7A  }
0x26: {  	[smem:$0x3F99] =	sst s1;
	(tag) =	ssettag s2;
	_ =	strace s9  }
0x27: {  	s1 =	sld [smem:$0x3FA9]  }
0x28: {  	s2 =	sld [smem:$0x3FAA]  }
0x29: {  	s4 =	sld [smem:$0x3FAC]  }
0x2a: {  	p0 =	seq.s32 s5, $0x0;
	s5 =	sld [smem:$0x3FAD]  }
0x2b: {  	s6 =	sld [smem:$0x3FAE]  }
0x2c: {  	s7 =	sld [smem:$0x3FAF]  }
0x2d: {  	s3 =	simm.s32 $0x108;
	s8 =	sld [smem:$0x3FB0]  }
0x2e: {  	s3 =	simm.s32 @!p0 $0x1082;
	s9 =	sld [smem:$0x3FB1]  }
0x2f: {  	lr =	sadd.s32 s0, s3;
	s0 =	sld [smem:$0x3FA8]  }
0x30: {  	s3 =	sld [smem:$0x3FAB]  }
0x31: {  	[smem:$0x3FB4] =	sst s10  }
0x32: {  	s10 =	sld [smem:$0x3FB2];
	_ =	sdelay $0x3  }
0x33: {  	p0 =	seq.s32 s10, $0x1;
	s10 =	sld [smem:$0x3FB4];
	_ =	sdelay $0x3  }
0x34: {  	[smem:$0x3FB4] =	sst s10  }
0x35: {  	s10 =	sld [smem:$0x3FB3];
	_ =	sdelay $0x3  }
0x36: {  	p1 =	seq.s32 s10, $0x1;
	s10 =	sld [smem:$0x3FB4];
	_ =	sdelay $0x3  }
0x37: {  	[smem:$0x3FB4] =	sst s10  }
0x38: {  	s10 =	sld [smem:$0x3FB5]  }
0x39: {  	_ = 	snop;
	(pc) =	sbr.ind lr, $3  }
0x3a: {  	_ = 	snop  }
0x3b: {  	_ = 	snop  }
0x3c: {  	p2 =	seq.s32 s10, $0x1;
	s10 =	sld [smem:$0x3FB4]  }
0x3d: {  	_ =	shalt  }
0x3e: {  	_ =	shalt  }
0x3f: {  	_ =	shalt  }
0x40: {  	_ =	shalt  }
0x41: {  	_ =	shalt  }
0x42: {  	_ =	shalt  }
0x43: {  	_ =	shalt  }
0x44: {  	_ =	shalt  }
0x45: {  	_ =	shalt  }
0x46: {  	_ =	shalt  }
0x47: {  	_ =	shalt  }
0x48: {  	_ =	shalt  }
0x49: {  	_ =	shalt  }
0x4a: {  	_ =	shalt  }
0x4b: {  	_ =	shalt  }
0x4c: {  	_ =	shalt  }
0x4d: {  	_ =	shalt  }
0x4e: {  	_ =	shalt  }
0x4f: {  	_ =	shalt  }
0x50: {  	_ =	shalt  }
0x51: {  	_ =	shalt  }
0x52: {  	_ =	shalt  }
0x53: {  	_ =	shalt  }
0x54: {  	_ =	shalt  }
0x55: {  	_ =	shalt  }
0x56: {  	_ =	shalt  }
0x57: {  	_ =	shalt  }
0x58: {  	_ =	shalt  }
0x59: {  	_ =	shalt  }
0x5a: {  	_ =	shalt  }
0x5b: {  	_ =	shalt  }
0x5c: {  	_ =	shalt  }
0x5d: {  	_ =	shalt  }
0x5e: {  	_ =	shalt  }
0x5f: {  	_ =	shalt  }
0x60: {  	_ =	shalt  }
0x61: {  	_ =	shalt  }
0x62: {  	_ =	shalt  }
0x63: {  	_ =	shalt  }
0x64: {  	_ =	shalt  }
0x65: {  	_ =	shalt  }
0x66: {  	_ =	shalt  }
0x67: {  	_ =	shalt  }
0x68: {  	_ =	shalt  }
0x69: {  	_ =	shalt  }
0x6a: {  	_ =	shalt  }
0x6b: {  	_ =	shalt  }
0x6c: {  	_ =	shalt  }
0x6d: {  	_ =	shalt  }
0x6e: {  	_ =	shalt  }
0x6f: {  	_ =	shalt  }
0x70: {  	_ =	shalt  }
0x71: {  	_ =	shalt  }
0x72: {  	_ =	shalt  }
0x73: {  	_ =	shalt  }
0x74: {  	_ =	shalt  }
0x75: {  	_ =	shalt  }
0x76: {  	_ =	shalt  }
0x77: {  	_ =	shalt  }
0x78: {  	_ =	shalt  }
0x79: {  	_ =	shalt  }
0x7a: {  	_ =	shalt  }
0x7b: {  	_ =	shalt  }
0x7c: {  	_ =	shalt  }
0x7d: {  	_ =	shalt  }
0x7e: {  	_ =	shalt  }
0x7f: {  	_ =	shalt  }
0x80: {  	_ =	shalt  }
0x81: {  	_ =	shalt  }
0x82: {  	_ =	shalt  }
0x83: {  	_ =	shalt  }
0x84: {  	_ =	shalt  }
0x85: {  	_ =	shalt  }
0x86: {  	_ =	shalt  }
0x87: {  	_ =	shalt  }
.Lfunc_end0:
.L_simem_size_0:
called_computation_lowered:
.L_overlay_start_0:
0x88: {  	s2 =	sld [smem:$0x3FD9]  }
0x89: {  	s3 =	sld [smem:$0x3FFE];
	_ =	sdelay $0x1  }
0x8a: {  	s1 =	srdreg.scid  }
0x8b: {  	s0 =	sand.u32 $0x1, s1  }
0x8c: {  	s17 =	sshll.u32 s0, $0xA;
	s2 =	sadd.s32 s3, s2  }
0x8d: {  	s2 =	sadd.s32 s2, s17  }
0x8e: {  	[smem:$0x3FC0] =	sst s2  }
0x8f: {  	_ = 	snop  }
0x90: {  	s2 =	sld [smem:$0x3FC9]  }
0x91: {  	s18 =	sld [smem:$0x3FD0];
	(tm) =	ssettm $0x1  }
0x92: {  	s4 =	sld [smem:$0x3FFB];
	_ =	sdelay $0x3  }
0x93: {  	_ =	strace s4  }
0x94: {  	s4 =	sld [smem:$0x3FFC];
	_ =	sdelay $0x3  }
0x95: {  	_ =	strace s4  }
0x96: {  	s4 =	sld [smem:$0x3FFD];
	_ =	sdelay $0x3  }
0x97: {  	_ =	strace s4  }
0x98: {  	_ =	strace $0x8FFFFFFF  }
0x99: {  	s19 =	sld [smem:$0x3FDB];
	_ =	sdelay $0x1  }
0x9a: {  	s5 =	simm.s32 $_scs_section_size  }
0x9b: {  	s6 =	simm.s32 $_size__tile_overlayer_lowered;
	s7 =	simm.s32 $_tile_overlayer_lowered  }
0x9c: {  	s22 =	simm.s32 $0x1BFF;
	s21 =	sshll.u32 s7, $0x1;
	s4 =	sadd.s32 s5, s19  }
0x9d: {  	s8 =	simm.s32 $0x0;
	s20 =	sshll.u32 s6, $0x1;
	s6 =	sadd.s32 s21, s4  }
0x9e: {  	[timem:s8], [sflag:s22] =	dma.local [hbm:s6], s20  }
0x9f: {  	_ =	swait.ge [sflag:s22], s20  }
0xa0: {  	s5 =	ssub.s32 $0x0, s20;
	[sflag:s22] =	ssyncset.done $0x0  }
0xa1: {  	[sflag:s22] =	ssyncadd.s32 s5;
	_ =	sdelay $0x1  }
0xa2: {  	s23 =	simm.s32 $0x1B8B  }
0xa3: {  	_ =	swait.ge [sflag:s23], $0x1  }
0xa4: {  	[sflag:s23] =	ssyncset.done $0x0  }
0xa5: {  	s25 =	simm.s32 $0x1B8E;
	s24 =	sld [smem:$0x3FFE];
	[sflag:s23] =	ssyncadd.s32 $0xFFFFFFFF  }
0xa6: {  	s26 =	simm.s32 $execute0_lowered;
	[smem:$0x3FD2] =	sst s25  }
0xa7: {  	s6 =	sshll.u32 s26, $0x1;
	_ =	strace $0x80000046;
	[dreg:$0x1] =	wrdreg $0xFFFFFFFF  }
0xa8: {  	s28 =	simm.s32 $_size_execute0_lowered;
	s4 =	sadd.s32 s4, s6;
	[dreg:$0x0] =	wrdreg $0x0  }
0xa9: {  	s6 =	sshll.u32 s28, $0x1;
	[dreg:$0x2] =	wrdreg s4  }
0xaa: {  	[dreg:$0x3] =	wrdreg s6  }
0xab: {  	[dreg:$0x4] =	wrdreg $0xC0  }
0xac: {  	_ =	task [dreg:s8], $0x5FFFF  }
0xad: {  	[dreg:$0x1] =	wrdreg $0xFFFFFFFF  }
0xae: {  	[dreg:$0x0] =	wrdreg $0x60  }
0xaf: {  	[dreg:$0x2] =	wrdreg s2  }
0xb0: {  	[dreg:$0x3] =	wrdreg s24  }
0xb1: {  	[dreg:$0x4] =	wrdreg s18  }
0xb2: {  	[dreg:$0x5] =	wrdreg $0x0  }
0xb3: {  	[dreg:$0x6] =	wrdreg $0x13C000  }
0xb4: {  	[dreg:$0x7] =	wrdreg $0x9  }
0xb5: {  	_ =	task.clear_ibuf [dreg:s8], $0x8FFFF;
	_ =	strace $0x90000046  }
0xb6: {  	s29 =	simm.s32 $0x9;
	_ =	strace $0x80000048  }
0xb7: {  	_ =	swait.ge [sflag:s29], $0x1  }
0xb8: {  	[sflag:s29] =	ssyncadd.s32 $0xFFFFFFFF  }
0xb9: {  	_ =	strace $0x90000048  }
0xba: {  	_ =	sfence  }
0xbb: {  	s30 =	sld [smem:$0x0];
	_ =	sdelay $0x2  }
0xbc: {  	s31 =	sshll.u32 s1, $0xD;
	s1 =	sshrl.u32 s1, $0x2  }
0xbd: {  	s3 =	sand.u32 $0x4000, s31;
	s1 =	sadd.s32 s1, s30  }
0xbe: {  	s0 =	sor.u32 s3, s0;
	s1 =	sshll.u32 s1, $0x11  }
0xbf: {  	s0 =	sor.u32 s1, s0  }
0xc0: {  	s0 =	sadd.s32 $0x8F2B, s0  }
0xc1: {  	[sflag:s0] =	ssyncadd.remote.s32 $0x1  }
0xc2: {  	_ =	sfence.sel $0xFFFF  }
0xc3: {  	[dreg:$0x0] =	wrdreg $0xFFFFFFFF;
	(pc) =	sbr.abs _section_cstart, $3  }
0xc4: {  	[dreg:$0x1] =	wrdreg $0xFFFFFFFF  }
0xc5: {  	_ =	task.clear_ibuf [dreg:s8], $0x2FFFF;
	_ =	strace $0x9FFFFFFF  }
0xc6: {  	(tm) =	ssettm $0x7FFFFFFF  }
0xc7: {  	_ =	shalt  }
tec
execute0_lowered:
.L_overlay_start_1:
0x0: {  	(tag) =	ssettag $0x1  }
0x1: {  	s1 =	rddreg [dreg:$0x0]  }
0x2: {  	s9 =	rddreg [dreg:$0x1]  }
0x3: {  	s0 =	srdreg.scid;
	s12 =	rddreg [dreg:$0x2]  }
0x4: {  	s24 =	stileid.u32;
	s3 =	rddreg [dreg:$0x3]  }
0x5: {  	s4 =	rddreg [dreg:$0x4];
	s5 =	simm.s32 $0x0;
	s15 =	smul.u32 $0x13C00, s24  }
0x6: {  	s23 =	simm.s32 $0x16700;
	s28 =	simm.s32 $0x0;
	s16 =	smul.u32 $0x4F000, s24  }
0x7: {  	s11 =	sand.u32 $0x1, s0;
	s8 =	sshll.u32 s24, $0x7;
	s18 =	smul.u32 $0xA00, s24  }
0x8: {  	[smem:$0x7FF] =	sst s5;
	s26 =	smul.u32 $0x500, s24;
	s20 =	sshll.u32 s24, $0x6  }
0x9: {  	s2 =	sshll.u32 s11, $0x4;
	s8 =	sand.u32 $0x380, s8;
	_ =	strace $0x80000047  }
0xa: {  	s10 =	smul.u32 $0x13C000, s11;
	s25 =	ssub.s32 $0x2, s11;
	s11 =	sshll.u32 s11, $0x7  }
0xb: {  	s20 =	sor.u32 $0x1C02, s20;
	s6 =	sor.u32 s24, s2;
	s17 =	sshrl.u32 s25, $0x1  }
0xc: {  	s29 =	sshrl.u32 s16, $0x2;
	s30 =	sshrl.u32 s18, $0x2;
	s11 =	sor.u32 s11, s26  }
0xd: {  	s16 =	simm.s32 $0x1A700;
	s18 =	simm.s32 $0x13E80;
	s24 =	simm.s32 $0x1  }
0xe: {  	s26 =	simm.s32 $0x10;
	s2 =	sshrl.u32 s6, $0x3;
	s6 =	smul.u32 $0x500, s6  }
0xf: {  	s10 =	sadd.s32 s15, s10;
	s15 =	ssub.s32 s25, s17;
	s21 =	sadd.s32 s29, s3  }
0x10: {  	s22 =	sadd.s32 s30, s4;
	s31 =	sshrl.u32 s11, $0x3;
	s17 =	simm.s32 $0x2  }
0x11: {  	s25 =	simm.s32 $0x20;
	s7 =	smul.u32 $0x13C00, s2;
	s10 =	sshrl.u32 s10, $0x3  }
0x12: {  	s12 =	sadd.s32 s12, s31;
	s21 =	sshrl.u32 s21, $0x3;
	s22 =	sshrl.u32 s22, $0x3  }
0x13: {  	s14 =	sadd.s32 s6, s9;
	s6 =	sadd.s32 $0x16E00, s9;
	s19 =	sadd.s32 s10, s9  }
0x14: {  	s7 =	sor.u32 s8, s7;
	s8 =	sadd.s32 $0x16A00, s9;
	s10 =	sadd.s32 $0x2C00, s14  }
0x15: {  	s11 =	sadd.s32 $0x19600, s19;
	s14 =	simm.s32 $0x80;
	s7 =	sshrl.u32 s7, $0x3  }
0x16: {  	s19 =	simm.s32 $0x16680;
	s13 =	sadd.s32 s7, s9;
	s7 =	sadd.s32 $0x16C00, s9  }
0x17: {  	s9 =	sadd.s32 $0xCC00, s13;
	s13 =	smax.u32 s15, $0x1;
	s15 =	simm.s32 $0x400  }
.LBB2_1:
0x18: {  	[tilespmem:s16], [sflag:$0x2] =	stream.strided.gather [hbm4b:s9+s14], $0x2780, s15, s14, $0x38;
	[tilespmem:$0x1CE80] =	vst v63  }
0x19: {  	_ =	swait.ge [sflag:s17], $0x2780  }
0x1a: {  	[sflag:s17] =	ssyncset.done $0x0  }
0x1b: {  	[sflag:s17] =	ssyncadd.s32 $0xFFFFD880  }
0x1c: {  	[tilespmem:s18], [sflag:$0x2] =	stream.linear.gather [hbm4b:s10+s5], $0x2780, $0x38;
	[tilespmem:$0x1CE80] =	vst v63  }
0x1d: {  	_ =	swait.ge [sflag:s17], $0x2780  }
0x1e: {  	[sflag:s17] =	ssyncset.done $0x0  }
0x1f: {  	[sflag:s17] =	ssyncadd.s32 $0xFFFFD880  }
0x20: {  	[tilespmem:s19], [sflag:$0x2] =	stream.linear.gather [hbm4b:s8+s5], $0x80, $0x38;
	[tilespmem:$0x1CE80] =	vst v63  }
0x21: {  	_ =	swait.ge [sflag:s17], $0x80  }
0x22: {  	[sflag:s17] =	ssyncset.done $0x0  }
0x23: {  	[sflag:s17] =	ssyncadd.s32 $0xFFFFFF80  }
0x24: {  	[spmem:s21], [sflag:s20] =	dma.local [hbm:s6], $0x2780  }
0x25: {  	_ =	swait.ge [sflag:s17], $0x2780  }
0x26: {  	[sflag:s17] =	ssyncset.done $0x0  }
0x27: {  	[sflag:s17] =	ssyncadd.s32 $0xFFFFD880  }
0x28: {  	[spmem:s22], [sflag:s20] =	dma.local [hbm:s7], $0x50  }
0x29: {  	_ =	swait.ge [sflag:s17], $0x50  }
0x2a: {  	[sflag:s17] =	ssyncset.done $0x0  }
0x2b: {  	[sflag:s17] =	ssyncadd.s32 $0xFFFFFFB0  }
0x2c: {  	s29 =	simm.s32 $0x1A700;
	[bflag:$0x0] =	sbarrier.arrive $0xFFFF  }
0x2d: {  	[tilespmem:s23], [sflag:$0x1] =	stream.indirect.gather [hbm4b:s1+s14], $0x80, s29, s14, $0xb8;
	[tilespmem:$0x1CE80] =	vst v63  }
0x2e: {  	_ =	swait.ge [sflag:s24], $0x4000  }
0x2f: {  	[sflag:s24] =	ssyncset.done $0x0  }
0x30: {  	s29 =	simm.s32 $0x13E80;
	[sflag:s24] =	ssyncadd.s32 $0xFFFFC000  }
0x31: {  	[spmem:s3] =	stream.indirect.scatter.add.f32 [tilespmem:s23], [sflag:$0x2], $0x80, s29, s14, $0xb8;
	[tilespmem:$0x1CE80] =	vst v63  }
0x32: {  	_ =	swait.ge [sflag:s17], $0x4000  }
0x33: {  	[sflag:s17] =	ssyncset.done $0x0  }
0x34: {  	[sflag:s17] =	ssyncadd.s32 $0xFFFFC000  }
0x35: {  	[spmem:s4] =	stream.indirect.scatter.add.f32 [tilespmem:s19], [sflag:$0x2], $0x1, s29, s14, $0xb8;
	[tilespmem:$0x1CE80] =	vst v63  }
0x36: {  	_ =	swait.ge [sflag:s17], $0x80  }
0x37: {  	s30 =	simm.s32 $0x400;
	s29 =	simm.s32 $0x80;
	[sflag:s17] =	ssyncset.done $0x0  }
.LBB2_2:
0x38: {  	s31 =	sadd.s32 $0x1A700, s29  }
0x39: {  	[sflag:s17] =	ssyncadd.s32 $0xFFFFFF80;
	s2 =	smov.u32 s30;
	s0 =	sadd.s32 $0x200, s30  }
0x3a: {  	[tilespmem:s23], [sflag:$0x1] =	stream.indirect.gather [hbm4b:s1+s14], $0x80, s31, s14, $0xb8;
	[tilespmem:$0x1CE80] =	vst v63  }
0x3b: {  	p0 =	sne.s32 s30, $0x9C00;
	_ =	swait.ge [sflag:s24], $0x4000  }
0x3c: {  	[sflag:s24] =	ssyncset.done $0x0  }
0x3d: {  	s29 =	sadd.s32 $0x13E80, s29;
	[sflag:s24] =	ssyncadd.s32 $0xFFFFC000  }
0x3e: {  	[spmem:s3] =	stream.indirect.scatter.add.f32 [tilespmem:s23], [sflag:$0x2], $0x80, s29, s14, $0xb8;
	[tilespmem:$0x1CE80] =	vst v63  }
0x3f: {  	_ =	swait.ge [sflag:s17], $0x4000  }
.Ltmp0:
0x40: {  	[sflag:s17] =	ssyncset.done $0x0;
	(pc) =	sbr.rel @p0 .LBB2_2-.Ltmp0, $4  }
0x41: {  	[sflag:s17] =	ssyncadd.s32 $0xFFFFC000  }
0x42: {  	[spmem:s4] =	stream.indirect.scatter.add.f32 [tilespmem:s19], [sflag:$0x2], $0x1, s29, s14, $0xb8;
	[tilespmem:$0x1CE80] =	vst v63  }
0x43: {  	_ =	swait.ge [sflag:s17], $0x80  }
0x44: {  	s30 =	smov.u32 s0;
	s29 =	sshra.s32 s2, $0x2;
	[sflag:s17] =	ssyncset.done $0x0  }
0x45: {  	s0 =	sadd.s32 $0x1A700, s29;
	[sflag:s17] =	ssyncadd.s32 $0xFFFFFF80  }
0x46: {  	[tilespmem:s23], [sflag:$0x1] =	stream.indirect.gather [hbm4b:s1+s14], $0x80, s0, s14, $0xb8;
	[tilespmem:$0x1CE80] =	vst v63  }
0x47: {  	_ =	swait.ge [sflag:s24], $0x4000  }
0x48: {  	[sflag:s24] =	ssyncset.done $0x0  }
0x49: {  	s31 =	sadd.s32 $0x13E80, s29;
	[sflag:s24] =	ssyncadd.s32 $0xFFFFC000  }
0x4a: {  	[spmem:s3] =	stream.indirect.scatter.add.f32 [tilespmem:s23], [sflag:$0x2], $0x80, s31, s14, $0xb8;
	[tilespmem:$0x1CE80] =	vst v63  }
0x4b: {  	_ =	swait.ge [sflag:s17], $0x4000  }
0x4c: {  	[sflag:s17] =	ssyncset.done $0x0  }
0x4d: {  	[sflag:s17] =	ssyncadd.s32 $0xFFFFC000  }
0x4e: {  	[spmem:s4] =	stream.indirect.scatter.add.f32 [tilespmem:s19], [sflag:$0x2], $0x1, s31, s14, $0xb8;
	[tilespmem:$0x1CE80] =	vst v63  }
0x4f: {  	_ =	swait.ge [sflag:s17], $0x80  }
0x50: {  	[sflag:s17] =	ssyncset.done $0x0  }
0x51: {  	[sflag:s17] =	ssyncadd.s32 $0xFFFFFF80  }
0x52: {  	[bflag:$0x0] =	sbarrier.arrive $0xFFFF  }
0x53: {  	[hbm:s11], [sflag:s20] =	dma.local [spmem:s21], $0x2780  }
0x54: {  	s28 =	sadd.s32 $0x1, s28;
	_ =	swait.ge [sflag:s17], $0x2780  }
0x55: {  	p0 =	sne.s32 s28, s13;
	[sflag:s17] =	ssyncset.done $0x0  }
.Ltmp1:
0x56: {  	[sflag:s17] =	ssyncadd.s32 $0xFFFFD880;
	(pc) =	sbr.rel @p0 .LBB2_1-.Ltmp1, $4  }
0x57: {  	[hbm:s12@s25], [sflag:s20] =	dma.strided [spmem:s22@s26], $0x50, s24, $0x10   }
0x58: {  	_ =	swait.ge [sflag:s17], $0x50  }
0x59: {  	[sflag:s17] =	ssyncset.done $0x0  }
0x5a: {  	[sflag:s17] =	ssyncadd.s32 $0xFFFFFFB0  }
0x5b: {  	_ =	sfence.sel $0x180000  }
0x5c: {  	[bflag:$0x0] =	sbarrier.arrive $0xFFFF  }
0x5d: {  	_ =	strace $0x90000047  }
0x5e: {  	s0 =	stileid.u32;
	[bflag:$0x2] =	sbarrier.arrive $0xFFFF  }
0x5f: {  	p0 =	sne.s32 s0, $0x0;
	s0 =	rddreg [dreg:$0x5]  }
0x60: {  	s0 =	sadd.s32 @!p0 $0x100000, s0  }
0x61: {  	[sflag:s0] =	ssyncadd.tile.s32 @!p0 $0x1;
	_ =	shalt  }
.Lfunc_end2:
_tile_overlayer_lowered:
.L_overlay_start_2:
0x62: {  	(tag) =	ssettag $0x2  }
0x63: {  	s0 =	rddreg [dreg:$0x0];
	s2 =	stileid.u32  }
0x64: {  	s1 =	rddreg [dreg:$0x1];
	p0 =	sne.s32 s2, $0x0  }
0x65: {  	s3 =	rddreg [dreg:$0x2];
	[bflag:$0x3] =	sbarrier.arrive $0xFFFF;
	s2 =	simm.s32 @!p0 $0x1C02  }
0x66: {  	[timem:s3], [sflag:s2] =	dma.local @!p0 [hbm:s0], s1  }
0x67: {  	s0 =	simm.s32 @!p0 $0x2  }
0x68: {  	_ =	swait.ge @!p0 [sflag:s0], s1  }
0x69: {  	s1 =	ssub.s32 @!p0 $0x0, s1;
	[sflag:s0] =	ssyncset.done @!p0 $0x0  }
0x6a: {  	[sflag:s0] =	ssyncadd.s32 @!p0 s1  }
0x6b: {  	[bflag:$0x3] =	sbarrier.arrive $0xFFFF  }
0x6c: {  	_ =	shalt  }

// kernel: kernel.9.cloned.1.call-start
scs
__scs_entry_jumppad:
0x0: {  	(pc) =	sbr.rel $0x88, $3  }
0x1: {  	(tag) =	ssettag $0x0;
	lr =	simm.s32 $0x1  }
0x2: {  	[smem:$0x3F99] =	sst lr;
	_ =	strace $0xD0000000  }
0x3: {  	_ = 	snop  }
0x4: {  	_ = 	snop  }
0x5: {  	_ = 	snop  }
0x6: {  	_ = 	snop  }
0x7: {  	_ = 	snop  }
__scs_overlays_trampoline_lowered:
0x8: {  	[smem:$0x3FA8] =	sst s0  }
0x9: {  	[smem:$0x3FA9] =	sst s1  }
0xa: {  	[smem:$0x3FAA] =	sst s2  }
0xb: {  	[smem:$0x3FAB] =	sst s3  }
0xc: {  	[smem:$0x3FAC] =	sst s4  }
0xd: {  	[smem:$0x3FAD] =	sst s5  }
0xe: {  	[smem:$0x3FAE] =	sst s6  }
0xf: {  	[smem:$0x3FAF] =	sst s7  }
0x10: {  	[smem:$0x3FB0] =	sst s8  }
0x11: {  	[smem:$0x3FB1] =	sst s9;
	s0 =	simm.s32 @!p0 $0x0  }
0x12: {  	s1 =	sld [smem:$0x3F97];
	s0 =	simm.s32 @p0 $0x1  }
0x13: {  	[smem:$0x3FB2] =	sst s0;
	s0 =	simm.s32 @!p1 $0x0  }
0x14: {  	s2 =	sld [smem:$0x3F96];
	s0 =	simm.s32 @p1 $0x1  }
0x15: {  	[smem:$0x3FB3] =	sst s0;
	s0 =	simm.s32 @!p2 $0x0  }
0x16: {  	s3 =	sld [smem:$0x3FDB];
	s0 =	simm.s32 @p2 $0x1  }
0x17: {  	s4 =	simm.s32 $0x1BF5;
	[smem:$0x3FB5] =	sst s0  }
0x18: {  	s0 =	sld [smem:$0x3F98];
	_ =	swait.ge [sflag:s4], $0x0  }
0x19: {  	s7 =	sld [smem:$0x3F99]  }
0x1a: {  	s8 =	sadd.s32 $0xFFFFE003, lr  }
0x1b: {  	s9 =	sadd.s32 $0xFFFFFEF7, lr;
	s5 =	simm.s32 $0xFFFFFFFF;
	p2 =	slt.u32 s8, $0xFFFFF086  }
0x1c: {  	p1 =	slt.u32 s9, $0xF7A;
	s5 =	simm.s32 @!p2 $0x0  }
0x1d: {  	s5 =	simm.s32 @p1 $0x1;
	p0 =	seq.s32 s7, s2  }
0x1e: {  	s7 =	smul.u32 @!p0 $0xF7A, s2;
	p2 =	seq.s32 @!p0 s5, $0x0  }
0x1f: {  	s9 =	smul.u32 $0xF7A, s1;
	s8 =	simm.s32 @!p0 $0x1BF5;
	p2 =	por !p2, p0  }
0x20: {  	[sflag:s8] =	ssyncset.s32 @!p0 $0xFFFFF086;
	s6 =	sadd.s32 @!p0 s3, s7;
	s7 =	simm.s32 @!p0 $0x108  }
0x21: {  	s3 =	sadd.s32 s3, s9;
	s6 =	sadd.s32 @!p0 $0x88, s6;
	s7 =	simm.s32 @p2 $0x1082  }
0x22: {  	[simem:s7], [sflag:s8] =	dma.local @!p0 [hbm:s6], $0xF7A  }
0x23: {  	s9 =	sor.u32 $0xD0000000, s2;
	s6 =	simm.s32 $0x108;
	_ =	swait.ge @!p0 [sflag:s8], $0x0  }
0x24: {  	s3 =	sadd.s32 $0x88, s3;
	s6 =	simm.s32 @!p1 $0x1082;
	[sflag:s4] =	ssyncset.s32 $0xFFFFF086  }
0x25: {  	[simem:s6], [sflag:s4] =	dma.local [hbm:s3], $0xF7A  }
0x26: {  	[smem:$0x3F99] =	sst s1;
	(tag) =	ssettag s2;
	_ =	strace s9  }
0x27: {  	s1 =	sld [smem:$0x3FA9]  }
0x28: {  	s2 =	sld [smem:$0x3FAA]  }
0x29: {  	s4 =	sld [smem:$0x3FAC]  }
0x2a: {  	p0 =	seq.s32 s5, $0x0;
	s5 =	sld [smem:$0x3FAD]  }
0x2b: {  	s6 =	sld [smem:$0x3FAE]  }
0x2c: {  	s7 =	sld [smem:$0x3FAF]  }
0x2d: {  	s3 =	simm.s32 $0x108;
	s8 =	sld [smem:$0x3FB0]  }
0x2e: {  	s3 =	simm.s32 @!p0 $0x1082;
	s9 =	sld [smem:$0x3FB1]  }
0x2f: {  	lr =	sadd.s32 s0, s3;
	s0 =	sld [smem:$0x3FA8]  }
0x30: {  	s3 =	sld [smem:$0x3FAB]  }
0x31: {  	[smem:$0x3FB4] =	sst s10  }
0x32: {  	s10 =	sld [smem:$0x3FB2];
	_ =	sdelay $0x3  }
0x33: {  	p0 =	seq.s32 s10, $0x1;
	s10 =	sld [smem:$0x3FB4];
	_ =	sdelay $0x3  }
0x34: {  	[smem:$0x3FB4] =	sst s10  }
0x35: {  	s10 =	sld [smem:$0x3FB3];
	_ =	sdelay $0x3  }
0x36: {  	p1 =	seq.s32 s10, $0x1;
	s10 =	sld [smem:$0x3FB4];
	_ =	sdelay $0x3  }
0x37: {  	[smem:$0x3FB4] =	sst s10  }
0x38: {  	s10 =	sld [smem:$0x3FB5]  }
0x39: {  	_ = 	snop;
	(pc) =	sbr.ind lr, $3  }
0x3a: {  	_ = 	snop  }
0x3b: {  	_ = 	snop  }
0x3c: {  	p2 =	seq.s32 s10, $0x1;
	s10 =	sld [smem:$0x3FB4]  }
0x3d: {  	_ =	shalt  }
0x3e: {  	_ =	shalt  }
0x3f: {  	_ =	shalt  }
0x40: {  	_ =	shalt  }
0x41: {  	_ =	shalt  }
0x42: {  	_ =	shalt  }
0x43: {  	_ =	shalt  }
0x44: {  	_ =	shalt  }
0x45: {  	_ =	shalt  }
0x46: {  	_ =	shalt  }
0x47: {  	_ =	shalt  }
0x48: {  	_ =	shalt  }
0x49: {  	_ =	shalt  }
0x4a: {  	_ =	shalt  }
0x4b: {  	_ =	shalt  }
0x4c: {  	_ =	shalt  }
0x4d: {  	_ =	shalt  }
0x4e: {  	_ =	shalt  }
0x4f: {  	_ =	shalt  }
0x50: {  	_ =	shalt  }
0x51: {  	_ =	shalt  }
0x52: {  	_ =	shalt  }
0x53: {  	_ =	shalt  }
0x54: {  	_ =	shalt  }
0x55: {  	_ =	shalt  }
0x56: {  	_ =	shalt  }
0x57: {  	_ =	shalt  }
0x58: {  	_ =	shalt  }
0x59: {  	_ =	shalt  }
0x5a: {  	_ =	shalt  }
0x5b: {  	_ =	shalt  }
0x5c: {  	_ =	shalt  }
0x5d: {  	_ =	shalt  }
0x5e: {  	_ =	shalt  }
0x5f: {  	_ =	shalt  }
0x60: {  	_ =	shalt  }
0x61: {  	_ =	shalt  }
0x62: {  	_ =	shalt  }
0x63: {  	_ =	shalt  }
0x64: {  	_ =	shalt  }
0x65: {  	_ =	shalt  }
0x66: {  	_ =	shalt  }
0x67: {  	_ =	shalt  }
0x68: {  	_ =	shalt  }
0x69: {  	_ =	shalt  }
0x6a: {  	_ =	shalt  }
0x6b: {  	_ =	shalt  }
0x6c: {  	_ =	shalt  }
0x6d: {  	_ =	shalt  }
0x6e: {  	_ =	shalt  }
0x6f: {  	_ =	shalt  }
0x70: {  	_ =	shalt  }
0x71: {  	_ =	shalt  }
0x72: {  	_ =	shalt  }
0x73: {  	_ =	shalt  }
0x74: {  	_ =	shalt  }
0x75: {  	_ =	shalt  }
0x76: {  	_ =	shalt  }
0x77: {  	_ =	shalt  }
0x78: {  	_ =	shalt  }
0x79: {  	_ =	shalt  }
0x7a: {  	_ =	shalt  }
0x7b: {  	_ =	shalt  }
0x7c: {  	_ =	shalt  }
0x7d: {  	_ =	shalt  }
0x7e: {  	_ =	shalt  }
0x7f: {  	_ =	shalt  }
0x80: {  	_ =	shalt  }
0x81: {  	_ =	shalt  }
0x82: {  	_ =	shalt  }
0x83: {  	_ =	shalt  }
0x84: {  	_ =	shalt  }
0x85: {  	_ =	shalt  }
0x86: {  	_ =	shalt  }
0x87: {  	_ =	shalt  }
.Lfunc_end0:
.L_simem_size_0:
called_computation.1_lowered:
.L_overlay_start_0:
0x88: {  	s2 =	sld [smem:$0x3FD9]  }
0x89: {  	s3 =	sld [smem:$0x3FFE];
	_ =	sdelay $0x1  }
0x8a: {  	s1 =	srdreg.scid  }
0x8b: {  	s0 =	sand.u32 $0x1, s1  }
0x8c: {  	s16 =	sshll.u32 s0, $0xA;
	s2 =	sadd.s32 s3, s2  }
0x8d: {  	s2 =	sadd.s32 s2, s16  }
0x8e: {  	[smem:$0x3FC0] =	sst s2  }
0x8f: {  	_ = 	snop  }
0x90: {  	(tm) =	ssettm $0x1  }
0x91: {  	s17 =	sld [smem:$0x3FFB];
	_ =	sdelay $0x3  }
0x92: {  	_ =	strace s17  }
0x93: {  	s2 =	sld [smem:$0x3FFC];
	_ =	sdelay $0x3  }
0x94: {  	_ =	strace s2  }
0x95: {  	s2 =	sld [smem:$0x3FFD];
	_ =	sdelay $0x3  }
0x96: {  	_ =	strace s2  }
0x97: {  	_ =	strace $0x8FFFFFFF  }
0x98: {  	s18 =	sld [smem:$0x3FDB];
	_ =	sdelay $0x1  }
0x99: {  	s19 =	simm.s32 $_scs_section_size  }
0x9a: {  	s4 =	simm.s32 $_size__tile_overlayer_lowered;
	s5 =	simm.s32 $_tile_overlayer_lowered  }
0x9b: {  	s22 =	simm.s32 $0x1BFF;
	s21 =	sshll.u32 s5, $0x1;
	s2 =	sadd.s32 s19, s18  }
0x9c: {  	s6 =	simm.s32 $0x0;
	s20 =	sshll.u32 s4, $0x1;
	s4 =	sadd.s32 s21, s2  }
0x9d: {  	[timem:s6], [sflag:s22] =	dma.local [hbm:s4], s20  }
0x9e: {  	_ =	swait.ge [sflag:s22], s20  }
0x9f: {  	s3 =	ssub.s32 $0x0, s20;
	[sflag:s22] =	ssyncset.done $0x0  }
0xa0: {  	[sflag:s22] =	ssyncadd.s32 s3;
	_ =	sdelay $0x1  }
0xa1: {  	s23 =	simm.s32 $0x1B8B  }
0xa2: {  	_ =	swait.ge [sflag:s23], $0x1  }
0xa3: {  	[sflag:s23] =	ssyncset.done $0x0  }
0xa4: {  	s25 =	simm.s32 $0x1B8E;
	s24 =	sld [smem:$0x3FFE];
	[sflag:s23] =	ssyncadd.s32 $0xFFFFFFFF  }
0xa5: {  	s26 =	simm.s32 $execute0_lowered;
	[smem:$0x3FD2] =	sst s25  }
0xa6: {  	s4 =	sshll.u32 s26, $0x1;
	_ =	strace $0x80000049;
	[dreg:$0x1] =	wrdreg $0xFFFFFFFF  }
0xa7: {  	s28 =	simm.s32 $_size_execute0_lowered;
	s2 =	sadd.s32 s2, s4;
	[dreg:$0x0] =	wrdreg $0x0  }
0xa8: {  	s4 =	sshll.u32 s28, $0x1;
	[dreg:$0x2] =	wrdreg s2  }
0xa9: {  	[dreg:$0x3] =	wrdreg s4  }
0xaa: {  	[dreg:$0x4] =	wrdreg $0xC0  }
0xab: {  	_ =	task [dreg:s6], $0x5FFFF  }
0xac: {  	[dreg:$0x1] =	wrdreg $0xFFFFFFFF  }
0xad: {  	[dreg:$0x0] =	wrdreg $0x60  }
0xae: {  	[dreg:$0x2] =	wrdreg s24  }
0xaf: {  	[dreg:$0x3] =	wrdreg $0x0  }
0xb0: {  	[dreg:$0x4] =	wrdreg $0x9  }
0xb1: {  	_ =	task.clear_ibuf [dreg:s6], $0x5FFFF;
	_ =	strace $0x90000049  }
0xb2: {  	s29 =	simm.s32 $0x9;
	_ =	strace $0x8000004B  }
0xb3: {  	_ =	swait.ge [sflag:s29], $0x1  }
0xb4: {  	[sflag:s29] =	ssyncadd.s32 $0xFFFFFFFF  }
0xb5: {  	_ =	strace $0x9000004B  }
0xb6: {  	_ =	sfence  }
0xb7: {  	s30 =	sld [smem:$0x0];
	_ =	sdelay $0x2  }
0xb8: {  	s31 =	sshll.u32 s1, $0xD;
	s1 =	sshrl.u32 s1, $0x2  }
0xb9: {  	s3 =	sand.u32 $0x4000, s31;
	s1 =	sadd.s32 s1, s30  }
0xba: {  	s0 =	sor.u32 s3, s0;
	s1 =	sshll.u32 s1, $0x11  }
0xbb: {  	s0 =	sor.u32 s1, s0  }
0xbc: {  	s0 =	sadd.s32 $0x8F2B, s0  }
0xbd: {  	[sflag:s0] =	ssyncadd.remote.s32 $0x1  }
0xbe: {  	_ =	sfence.sel $0xFFFF  }
0xbf: {  	[dreg:$0x0] =	wrdreg $0xFFFFFFFF;
	(pc) =	sbr.abs _section_cstart, $3  }
0xc0: {  	[dreg:$0x1] =	wrdreg $0xFFFFFFFF  }
0xc1: {  	_ =	task.clear_ibuf [dreg:s6], $0x2FFFF;
	_ =	strace $0x9FFFFFFF  }
0xc2: {  	(tm) =	ssettm $0x7FFFFFFF  }
0xc3: {  	_ =	shalt  }
tec
execute0_lowered:
.L_overlay_start_1:
0x0: {  	(tag) =	ssettag $0x1  }
0x1: {  	s6 =	rddreg [dreg:$0x0]  }
0x2: {  	s0 =	srdreg.scid;
	s2 =	rddreg [dreg:$0x1]  }
0x3: {  	s12 =	simm.s32 $0x1A400;
	s13 =	simm.s32 $0x2;
	s14 =	simm.s32 $0x13C00  }
0x4: {  	s17 =	simm.s32 $0x16400;
	s18 =	simm.s32 $0x1;
	s5 =	sand.u32 $0x1, s0  }
0x5: {  	s19 =	simm.s32 $0x0;
	s0 =	stileid.u32;
	s9 =	smul.u32 $0x13C000, s5  }
0x6: {  	s1 =	sshll.u32 s5, $0x4;
	s7 =	sshll.u32 s0, $0x7;
	s10 =	smul.u32 $0x13C00, s0  }
0x7: {  	s30 =	ssub.s32 $0x2, s5;
	s11 =	smul.u32 $0x4F000, s0;
	s5 =	sadd.s32 $0x16E00, s6  }
0x8: {  	s15 =	sshll.u32 s0, $0x6;
	s3 =	sor.u32 s0, s1;
	s7 =	sand.u32 $0x380, s7  }
0x9: {  	s31 =	sshrl.u32 s30, $0x1;
	s15 =	sor.u32 $0x1C02, s15;
	s1 =	sshrl.u32 s3, $0x3  }
0xa: {  	s8 =	smul.u32 $0x500, s3;
	s3 =	simm.s32 $0x0;
	s9 =	sadd.s32 s10, s9  }
0xb: {  	s10 =	ssub.s32 s30, s31;
	s4 =	smul.u32 $0x13C00, s1;
	s1 =	rddreg [dreg:$0x2]  }
0xc: {  	s11 =	sshrl.u32 s11, $0x2;
	[smem:$0x7FF] =	sst s3;
	s9 =	sshrl.u32 s9, $0x3  }
0xd: {  	s16 =	sadd.s32 s11, s2;
	s11 =	simm.s32 $0x400;
	s7 =	sor.u32 s7, s4  }
0xe: {  	_ =	strace $0x8000004A;
	s8 =	sadd.s32 s8, s6;
	s7 =	sshrl.u32 s7, $0x3  }
0xf: {  	s9 =	sadd.s32 s9, s6;
	s16 =	sshrl.u32 s16, $0x3;
	s7 =	sadd.s32 s7, s6  }
0x10: {  	s4 =	sadd.s32 $0x19600, s6;
	s6 =	sadd.s32 $0xCC00, s7;
	s7 =	sadd.s32 $0x2C00, s8  }
0x11: {  	s8 =	sadd.s32 $0x40800, s9;
	s9 =	smax.u32 s10, $0x1;
	s10 =	simm.s32 $0x80  }
.LBB2_1:
0x12: {  	[tilespmem:s12], [sflag:$0x2] =	stream.strided.gather [hbm4b:s6+s10], $0x2780, s11, s10, $0x38;
	[tilespmem:$0x1CB80] =	vst v63  }
0x13: {  	_ =	swait.ge [sflag:s13], $0x2780  }
0x14: {  	[sflag:s13] =	ssyncset.done $0x0  }
0x15: {  	[sflag:s13] =	ssyncadd.s32 $0xFFFFD880  }
0x16: {  	[tilespmem:s14], [sflag:$0x2] =	stream.linear.gather [hbm4b:s7+s3], $0x2780, $0x38;
	[tilespmem:$0x1CB80] =	vst v63  }
0x17: {  	_ =	swait.ge [sflag:s13], $0x2780  }
0x18: {  	[sflag:s13] =	ssyncset.done $0x0  }
0x19: {  	[sflag:s13] =	ssyncadd.s32 $0xFFFFD880  }
0x1a: {  	[spmem:s16], [sflag:s15] =	dma.local [hbm:s5], $0x2780  }
0x1b: {  	_ =	swait.ge [sflag:s13], $0x2780  }
0x1c: {  	[sflag:s13] =	ssyncset.done $0x0  }
0x1d: {  	[sflag:s13] =	ssyncadd.s32 $0xFFFFD880  }
0x1e: {  	s20 =	simm.s32 $0x1A400;
	[bflag:$0x0] =	sbarrier.arrive $0xFFFF  }
0x1f: {  	[tilespmem:s17], [sflag:$0x1] =	stream.indirect.gather [hbm4b:s4+s10], $0x80, s20, s10, $0xb8;
	[tilespmem:$0x1CB80] =	vst v63  }
0x20: {  	_ =	swait.ge [sflag:s18], $0x4000  }
0x21: {  	[sflag:s18] =	ssyncset.done $0x0  }
0x22: {  	s31 =	simm.s32 $0x13C00;
	[sflag:s18] =	ssyncadd.s32 $0xFFFFC000  }
0x23: {  	[spmem:s2] =	stream.indirect.scatter.add.f32 [tilespmem:s17], [sflag:$0x2], $0x80, s31, s10, $0xb8;
	[tilespmem:$0x1CB80] =	vst v63  }
0x24: {  	_ =	swait.ge [sflag:s13], $0x4000  }
0x25: {  	s21 =	simm.s32 $0x400;
	s20 =	simm.s32 $0x80;
	[sflag:s13] =	ssyncset.done $0x0  }
.LBB2_2:
0x26: {  	s22 =	sadd.s32 $0x1A400, s20  }
0x27: {  	[sflag:s13] =	ssyncadd.s32 $0xFFFFC000;
	s23 =	smov.u32 s21;
	s24 =	sadd.s32 $0x200, s21  }
0x28: {  	[tilespmem:s17], [sflag:$0x1] =	stream.indirect.gather [hbm4b:s4+s10], $0x80, s22, s10, $0xb8;
	[tilespmem:$0x1CB80] =	vst v63  }
0x29: {  	p0 =	sne.s32 s21, $0x9C00;
	_ =	swait.ge [sflag:s18], $0x4000  }
.Ltmp0:
0x2a: {  	[sflag:s18] =	ssyncset.done $0x0;
	(pc) =	sbr.rel @p0 .LBB2_2-.Ltmp0, $4  }
0x2b: {  	s20 =	sadd.s32 $0x13C00, s20;
	[sflag:s18] =	ssyncadd.s32 $0xFFFFC000  }
0x2c: {  	[spmem:s2] =	stream.indirect.scatter.add.f32 [tilespmem:s17], [sflag:$0x2], $0x80, s20, s10, $0xb8;
	[tilespmem:$0x1CB80] =	vst v63  }
0x2d: {  	_ =	swait.ge [sflag:s13], $0x4000  }
0x2e: {  	s21 =	smov.u32 s24;
	s20 =	sshra.s32 s23, $0x2;
	[sflag:s13] =	ssyncset.done $0x0  }
0x2f: {  	s21 =	sadd.s32 $0x1A400, s20;
	[sflag:s13] =	ssyncadd.s32 $0xFFFFC000  }
0x30: {  	[tilespmem:s17], [sflag:$0x1] =	stream.indirect.gather [hbm4b:s4+s10], $0x80, s21, s10, $0xb8;
	[tilespmem:$0x1CB80] =	vst v63  }
0x31: {  	_ =	swait.ge [sflag:s18], $0x4000  }
0x32: {  	[sflag:s18] =	ssyncset.done $0x0  }
0x33: {  	s31 =	sadd.s32 $0x13C00, s20;
	[sflag:s18] =	ssyncadd.s32 $0xFFFFC000  }
0x34: {  	[spmem:s2] =	stream.indirect.scatter.add.f32 [tilespmem:s17], [sflag:$0x2], $0x80, s31, s10, $0xb8;
	[tilespmem:$0x1CB80] =	vst v63  }
0x35: {  	_ =	swait.ge [sflag:s13], $0x4000  }
0x36: {  	s19 =	sadd.s32 $0x1, s19;
	[sflag:s13] =	ssyncset.done $0x0  }
0x37: {  	p0 =	sne.s32 s19, s9;
	[sflag:s13] =	ssyncadd.s32 $0xFFFFC000  }
.Ltmp1:
0x38: {  	[bflag:$0x0] =	sbarrier.arrive $0xFFFF;
	(pc) =	sbr.rel @p0 .LBB2_1-.Ltmp1, $4  }
0x39: {  	[hbm:s8], [sflag:s15] =	dma.local [spmem:s16], $0x2780  }
0x3a: {  	_ =	swait.ge [sflag:s13], $0x2780  }
0x3b: {  	[sflag:s13] =	ssyncset.done $0x0  }
0x3c: {  	[sflag:s13] =	ssyncadd.s32 $0xFFFFD880  }
0x3d: {  	_ =	sfence.sel $0x180000  }
0x3e: {  	[bflag:$0x0] =	sbarrier.arrive $0xFFFF  }
0x3f: {  	p0 =	sne.s32 s0, $0x0;
	_ =	strace $0x9000004A  }
0x40: {  	s0 =	sadd.s32 @!p0 $0x100000, s1;
	[bflag:$0x2] =	sbarrier.arrive $0xFFFF  }
0x41: {  	[sflag:s0] =	ssyncadd.tile.s32 @!p0 $0x1;
	_ =	shalt  }
.Lfunc_end2:
_tile_overlayer_lowered:
.L_overlay_start_2:
0x42: {  	(tag) =	ssettag $0x2  }
0x43: {  	s0 =	rddreg [dreg:$0x0];
	s2 =	stileid.u32  }
0x44: {  	s1 =	rddreg [dreg:$0x1];
	p0 =	sne.s32 s2, $0x0  }
0x45: {  	s3 =	rddreg [dreg:$0x2];
	[bflag:$0x3] =	sbarrier.arrive $0xFFFF;
	s2 =	simm.s32 @!p0 $0x1C02  }
0x46: {  	[timem:s3], [sflag:s2] =	dma.local @!p0 [hbm:s0], s1  }
0x47: {  	s0 =	simm.s32 @!p0 $0x2  }
0x48: {  	_ =	swait.ge @!p0 [sflag:s0], s1  }
0x49: {  	s1 =	ssub.s32 @!p0 $0x0, s1;
	[sflag:s0] =	ssyncset.done @!p0 $0x0  }
0x4a: {  	[sflag:s0] =	ssyncadd.s32 @!p0 s1  }
0x4b: {  	[bflag:$0x3] =	sbarrier.arrive $0xFFFF  }
0x4c: {  	_ =	shalt  }

</sc_bundles>
